<compile_context>
chip_gen: v7x
topology: tpu7x:2x2x1
jax: 0.10.2.dev20260603
libtpu: 0.0.44.dev20260713+nightly
codegen_flags: <defaults>
</compile_context>

<pallas_src>
import functools

import jax
import jax.numpy as jnp
from jax import lax
from jax.experimental import pallas as pl
from jax.experimental.pallas import tpu as pltpu
from jax.experimental.pallas import tpu_sc as plsc

N_NODES = 100000
N_FEATS = 9
VOCAB = 119
EMB = 128

NC = 2
NS = 16
NW = NC * NS

C = 80
NCHUNKS = N_NODES // C
CHUNKS_PER_W = -(-NCHUNKS // NW)
NITER = CHUNKS_PER_W + (CHUNKS_PER_W % 2)
LANES = 16
VPR = EMB // LANES

_mesh = plsc.VectorSubcoreMesh(core_axis_name="c", subcore_axis_name="s")


@functools.partial(
    pl.kernel,
    mesh=_mesh,
    out_type=jax.ShapeDtypeStruct((N_NODES, EMB), jnp.float32),
    scratch_types=[
        pltpu.VMEM((2, N_FEATS, C), jnp.int32),
        pltpu.VMEM((2, C, EMB), jnp.float32),
        pltpu.SemaphoreType.DMA,
        pltpu.SemaphoreType.DMA,
        pltpu.SemaphoreType.DMA,
        pltpu.SemaphoreType.DMA,
    ],
)
def _encode(xt_hbm, tbl_hbm, out_hbm, idx_v, acc_v, g0, g1, o0, o1):
    wid = lax.axis_index("s") * NC + lax.axis_index("c")
    gsems = (g0, g1)
    osems = (o0, o1)

    zeros = jnp.zeros((LANES,), jnp.float32)

    def start(i, b):
        ch = i * NW + wid

        @pl.when(ch < NCHUNKS)
        def _():
            def zero_node(n):
                for v in range(VPR):
                    acc_v[b, n, pl.ds(v * LANES, LANES)] = zeros

            pl.loop(0, C)(zero_node)
            pltpu.sync_copy(xt_hbm.at[ch], idx_v.at[b])
            for f in range(N_FEATS):
                pltpu.async_copy(
                    tbl_hbm.at[idx_v.at[b, f]], acc_v.at[b], gsems[b], add=True
                )

    def finish(i, b):
        ch = i * NW + wid

        @pl.when((ch >= 0) & (ch < NCHUNKS))
        def _():
            for f in range(N_FEATS):
                pltpu.make_async_copy(
                    tbl_hbm.at[idx_v.at[b, f]], acc_v.at[b], gsems[b]
                ).wait()
            pltpu.async_copy(acc_v.at[b], out_hbm.at[pl.ds(ch * C, C)], osems[b])

    def drain_out(i, b):
        ch = i * NW + wid

        @pl.when((ch >= 0) & (ch < NCHUNKS))
        def _():
            pltpu.make_async_copy(
                acc_v.at[b], out_hbm.at[pl.ds(ch * C, C)], osems[b]
            ).wait()

    def body(i2):
        for b in range(2):
            i = i2 + b
            drain_out(i - 2, b)
            start(i, b)
            finish(i - 1, 1 - b)

    pl.loop(0, NITER, step=2)(body)
    finish(NITER - 1, (NITER - 1) % 2)
    drain_out(NITER - 2, (NITER - 2) % 2)
    drain_out(NITER - 1, (NITER - 1) % 2)


def kernel(x, tables):
    offs = (jnp.arange(N_FEATS, dtype=jnp.int32) * VOCAB)[:, None]
    xt = x.astype(jnp.int32).T + offs
    xt3 = xt.reshape(N_FEATS, NCHUNKS, C).transpose(1, 0, 2)
    tbl = tables.reshape(N_FEATS * VOCAB, EMB)
    return _encode(xt3, tbl)

# --- scband reference (transcript-rebuilt; emitter-appended) ---
"""Pipeline reference for scband-node-encoder-91010357002859 (READ-ONLY COPY).

The authoritative reference and input builder live on the scoring server;
editing this copy changes nothing except your own understanding.
"""

import jax, jax.numpy as jnp
import numpy as np

N_NODES = 100000
N_FEATS = 9
VOCAB = 119
EMB_DIM = 128


def setup_inputs(seed: int = 0) -> dict:
    key = jax.random.key(seed)
    k1, k2 = jax.random.split(key)
    x = jax.random.randint(k1, (N_NODES, N_FEATS), 0, VOCAB)
    # xavier_uniform init per table: bound = sqrt(6 / (fan_in + fan_out))
    bound = float(np.sqrt(6.0 / (VOCAB + EMB_DIM)))
    tables = jax.random.uniform(
        k2, (N_FEATS, VOCAB, EMB_DIM), minval=-bound, maxval=bound, dtype=jnp.float32
    )
    return {"x": x, "tables": tables}


def reference(x, tables):
    # NodeEncoder.forward with uses_k_wl_transform=0, k_wl=0:
    #   x_embedding = sum_i atom_embedding_list[i](x[:, i])
    idx = x.astype(jnp.int32)
    feat_ids = jnp.arange(tables.shape[0])[None, :]  # [1, N_FEATS]
    emb = tables[feat_ids, idx]  # gather -> [N, N_FEATS, EMB_DIM]
    return jnp.sum(emb, axis=1)  # [N, EMB_DIM]

if __name__ == "__main__":
    import jax
    _d = setup_inputs()
    print(jax.jit(kernel)(*tuple(_d.values())))

</pallas_src>

<mosaic_0001>
#map = affine_map<(d0, d1) -> (0, 0, 0)>
#map1 = affine_map<(d0, d1) -> (0, 0)>
module attributes {stable_mosaic.version = 14 : i64} {
  func.func @_encode(%arg0: i32, %arg1: i32, %arg2: memref<1250x9x80xi32, #tpu.memory_space<hbm>>, %arg3: memref<1071x128xf32, #tpu.memory_space<hbm>>, %arg4: memref<100000x128xf32, #tpu.memory_space<hbm>>, %arg5: memref<2x9x80xi32, #tpu.memory_space<vmem>>, %arg6: memref<2x80x128xf32, #tpu.memory_space<vmem>>, %arg7: memref<!tpu.dma_semaphore, #tpu.memory_space<semaphore_mem>>, %arg8: memref<!tpu.dma_semaphore, #tpu.memory_space<semaphore_mem>>, %arg9: memref<!tpu.dma_semaphore, #tpu.memory_space<semaphore_mem>>, %arg10: memref<!tpu.dma_semaphore, #tpu.memory_space<semaphore_mem>>) attributes {dimension_semantics = [#tpu.dimension_semantics<core_parallel>, #tpu.dimension_semantics<subcore_parallel>], iteration_bounds = array<i64: 2, 16>, scalar_prefetch = 0 : i64, scratch_operands = 6 : i64, tpu.core_type = #tpu.core_type<sc_vector_subcore>, window_params = [{transform_indices = #map}, {transform_indices = #map1}, {transform_indices = #map1}]} {
    %mul3A = arith.constant 2 : i32
    %mul3A_0 = arith.muli %arg1, %mul3A : i32
    %add3A = arith.addi %mul3A_0, %arg0 : i32
    %broadcast_in_dim3A = arith.constant 0.000000e+00 : f32
    %broadcast_in_dim3A_1 = vector.broadcast %broadcast_in_dim3A : f32 to vector<16xf32>
    %scan3A = arith.constant 0 : i32
    %scan3A_2 = arith.constant 20 : i32
    %scan3A_3 = arith.addi %scan3A, %scan3A_2 : i32
    %scan3A_4 = arith.constant 1 : i32
    scf.for %scan3A_31 = %scan3A to %scan3A_3 step %scan3A_4  : i32 {
      %mul3A_32 = arith.constant 2 : i32
      %mul3A_33 = arith.muli %scan3A_31, %mul3A_32 : i32
      %add3A_34 = arith.constant 0 : i32
      %add3A_35 = arith.addi %add3A_34, %mul3A_33 : i32
      %add3A_36 = arith.constant 0 : i32
      %add3A_37 = arith.addi %add3A_35, %add3A_36 : i32
      %sub3A = arith.constant 2 : i32
      %sub3A_38 = arith.subi %add3A_37, %sub3A : i32
      %mul3A_39 = arith.constant 32 : i32
      %mul3A_40 = arith.muli %sub3A_38, %mul3A_39 : i32
      %add3A_41 = arith.addi %mul3A_40, %add3A : i32
      %ge3A_42 = arith.constant 0 : i32
      %ge3A_43 = arith.cmpi sge, %add3A_41, %ge3A_42 : i32
      %lt3A_44 = arith.constant 1250 : i32
      %lt3A_45 = arith.cmpi slt, %add3A_41, %lt3A_44 : i32
      %and3A_46 = arith.andi %ge3A_43, %lt3A_45 : i1
      %convert_element_type3A_47 = arith.extui %and3A_46 : i1 to i32
      %cond3A_48 = arith.constant 0 : i32
      %cond3A_49 = arith.cmpi ne, %convert_element_type3A_47, %cond3A_48 : i32
      scf.if %cond3A_49 {
        %mul3A_107 = arith.constant 80 : i32
        %mul3A_108 = arith.muli %add3A_41, %mul3A_107 : i32
        %dma_wait3A = arith.constant 0 : i32
        %dma_wait3A_109 = arith.constant 0 : i32
        %dma_wait3A_110 = arith.constant 0 : i32
        %dma_wait3A_111 = tpu.memref_slice %arg6[%dma_wait3A, %dma_wait3A_109, %dma_wait3A_110] : memref<2x80x128xf32, #tpu.memory_space<vmem>> -> memref<1x80x128xf32, #tpu.memory_space<vmem>>
        %dma_wait3A_112 = tpu.memref_squeeze %dma_wait3A_111 : memref<1x80x128xf32, #tpu.memory_space<vmem>> -> memref<80x128xf32, #tpu.memory_space<vmem>>
        %dma_wait3A_113 = arith.constant 0 : i32
        %dma_wait3A_114 = tpu.memref_slice %arg4[%mul3A_108, %dma_wait3A_113] : memref<100000x128xf32, #tpu.memory_space<hbm>> -> memref<80x128xf32, #tpu.memory_space<hbm>>
        %dma_wait3A_115 = arith.constant 0 : i32
        %dma_wait3A_116 = tpu.memref_slice %arg4[%mul3A_108, %dma_wait3A_115] : memref<100000x128xf32, #tpu.memory_space<hbm>> -> memref<80x128xf32, #tpu.memory_space<hbm>>
        %dma_wait3A_117 = arith.constant 0 : i32
        %dma_wait3A_118 = arith.constant 0 : i32
        %dma_wait3A_119 = tpu.memref_slice %arg6[%dma_wait3A, %dma_wait3A_117, %dma_wait3A_118] : memref<2x80x128xf32, #tpu.memory_space<vmem>> -> memref<1x80x128xf32, #tpu.memory_space<vmem>>
        %dma_wait3A_120 = tpu.memref_squeeze %dma_wait3A_119 : memref<1x80x128xf32, #tpu.memory_space<vmem>> -> memref<80x128xf32, #tpu.memory_space<vmem>>
        tpu.wait_dma2 semaphore(%arg9 : memref<!tpu.dma_semaphore, #tpu.memory_space<semaphore_mem>>) src(%dma_wait3A_120 : memref<80x128xf32, #tpu.memory_space<vmem>>) dst(%dma_wait3A_116 : memref<80x128xf32, #tpu.memory_space<hbm>>)
      } else {
      }
      %mul3A_50 = arith.constant 32 : i32
      %mul3A_51 = arith.muli %add3A_37, %mul3A_50 : i32
      %add3A_52 = arith.addi %mul3A_51, %add3A : i32
      %lt3A_53 = arith.constant 1250 : i32
      %lt3A_54 = arith.cmpi slt, %add3A_52, %lt3A_53 : i32
      %convert_element_type3A_55 = arith.extui %lt3A_54 : i1 to i32
      %cond3A_56 = arith.constant 0 : i32
      %cond3A_57 = arith.cmpi ne, %convert_element_type3A_55, %cond3A_56 : i32
      scf.if %cond3A_57 {
        %scan3A_107 = arith.constant 0 : i32
        %scan3A_108 = arith.constant 80 : i32
        %scan3A_109 = arith.addi %scan3A_107, %scan3A_108 : i32
        %scan3A_110 = arith.constant 1 : i32
        scf.for %scan3A_228 = %scan3A_107 to %scan3A_109 step %scan3A_110  : i32 {
          %mul3A_229 = arith.constant 1 : i32
          %mul3A_230 = arith.muli %scan3A_228, %mul3A_229 : i32
          %add3A_231 = arith.constant 0 : i32
          %add3A_232 = arith.addi %add3A_231, %mul3A_230 : i32
          %swap3A = arith.constant 0 : i32
          %swap3A_233 = arith.index_cast %swap3A : i32 to index
          %swap3A_234 = arith.index_cast %add3A_232 : i32 to index
          %swap3A_235 = arith.constant 0 : index
          %swap3A_236 = tpu.vector_load %arg6[%swap3A_233, %swap3A_234, %swap3A_235] {strides = array<i32>} : memref<2x80x128xf32, #tpu.memory_space<vmem>>, vector<1x1x16xf32>,
          %swap3A_237 = vector.shape_cast %swap3A_236 : vector<1x1x16xf32> to vector<16xf32>
          %swap3A_238 = vector.shape_cast %broadcast_in_dim3A_1 : vector<16xf32> to vector<1x1x16xf32>
          tpu.vector_store %arg6[%swap3A_233, %swap3A_234, %swap3A_235], %swap3A_238 {strides = array<i32>} : memref<2x80x128xf32, #tpu.memory_space<vmem>>, vector<1x1x16xf32>,
          %swap3A_239 = arith.constant 0 : i32
          %swap3A_240 = arith.index_cast %swap3A_239 : i32 to index
          %swap3A_241 = arith.index_cast %add3A_232 : i32 to index
          %swap3A_242 = arith.constant 16 : index
          %swap3A_243 = tpu.vector_load %arg6[%swap3A_240, %swap3A_241, %swap3A_242] {strides = array<i32>} : memref<2x80x128xf32, #tpu.memory_space<vmem>>, vector<1x1x16xf32>,
          %swap3A_244 = vector.shape_cast %swap3A_243 : vector<1x1x16xf32> to vector<16xf32>
          %swap3A_245 = vector.shape_cast %broadcast_in_dim3A_1 : vector<16xf32> to vector<1x1x16xf32>
          tpu.vector_store %arg6[%swap3A_240, %swap3A_241, %swap3A_242], %swap3A_245 {strides = array<i32>} : memref<2x80x128xf32, #tpu.memory_space<vmem>>, vector<1x1x16xf32>,
          %swap3A_246 = arith.constant 0 : i32
          %swap3A_247 = arith.index_cast %swap3A_246 : i32 to index
          %swap3A_248 = arith.index_cast %add3A_232 : i32 to index
          %swap3A_249 = arith.constant 32 : index
          %swap3A_250 = tpu.vector_load %arg6[%swap3A_247, %swap3A_248, %swap3A_249] {strides = array<i32>} : memref<2x80x128xf32, #tpu.memory_space<vmem>>, vector<1x1x16xf32>,
          %swap3A_251 = vector.shape_cast %swap3A_250 : vector<1x1x16xf32> to vector<16xf32>
          %swap3A_252 = vector.shape_cast %broadcast_in_dim3A_1 : vector<16xf32> to vector<1x1x16xf32>
          tpu.vector_store %arg6[%swap3A_247, %swap3A_248, %swap3A_249], %swap3A_252 {strides = array<i32>} : memref<2x80x128xf32, #tpu.memory_space<vmem>>, vector<1x1x16xf32>,
          %swap3A_253 = arith.constant 0 : i32
          %swap3A_254 = arith.index_cast %swap3A_253 : i32 to index
          %swap3A_255 = arith.index_cast %add3A_232 : i32 to index
          %swap3A_256 = arith.constant 48 : index
          %swap3A_257 = tpu.vector_load %arg6[%swap3A_254, %swap3A_255, %swap3A_256] {strides = array<i32>} : memref<2x80x128xf32, #tpu.memory_space<vmem>>, vector<1x1x16xf32>,
          %swap3A_258 = vector.shape_cast %swap3A_257 : vector<1x1x16xf32> to vector<16xf32>
          %swap3A_259 = vector.shape_cast %broadcast_in_dim3A_1 : vector<16xf32> to vector<1x1x16xf32>
          tpu.vector_store %arg6[%swap3A_254, %swap3A_255, %swap3A_256], %swap3A_259 {strides = array<i32>} : memref<2x80x128xf32, #tpu.memory_space<vmem>>, vector<1x1x16xf32>,
          %swap3A_260 = arith.constant 0 : i32
          %swap3A_261 = arith.index_cast %swap3A_260 : i32 to index
          %swap3A_262 = arith.index_cast %add3A_232 : i32 to index
          %swap3A_263 = arith.constant 64 : index
          %swap3A_264 = tpu.vector_load %arg6[%swap3A_261, %swap3A_262, %swap3A_263] {strides = array<i32>} : memref<2x80x128xf32, #tpu.memory_space<vmem>>, vector<1x1x16xf32>,
          %swap3A_265 = vector.shape_cast %swap3A_264 : vector<1x1x16xf32> to vector<16xf32>
          %swap3A_266 = vector.shape_cast %broadcast_in_dim3A_1 : vector<16xf32> to vector<1x1x16xf32>
          tpu.vector_store %arg6[%swap3A_261, %swap3A_262, %swap3A_263], %swap3A_266 {strides = array<i32>} : memref<2x80x128xf32, #tpu.memory_space<vmem>>, vector<1x1x16xf32>,
          %swap3A_267 = arith.constant 0 : i32
          %swap3A_268 = arith.index_cast %swap3A_267 : i32 to index
          %swap3A_269 = arith.index_cast %add3A_232 : i32 to index
          %swap3A_270 = arith.constant 80 : index
          %swap3A_271 = tpu.vector_load %arg6[%swap3A_268, %swap3A_269, %swap3A_270] {strides = array<i32>} : memref<2x80x128xf32, #tpu.memory_space<vmem>>, vector<1x1x16xf32>,
          %swap3A_272 = vector.shape_cast %swap3A_271 : vector<1x1x16xf32> to vector<16xf32>
          %swap3A_273 = vector.shape_cast %broadcast_in_dim3A_1 : vector<16xf32> to vector<1x1x16xf32>
          tpu.vector_store %arg6[%swap3A_268, %swap3A_269, %swap3A_270], %swap3A_273 {strides = array<i32>} : memref<2x80x128xf32, #tpu.memory_space<vmem>>, vector<1x1x16xf32>,
          %swap3A_274 = arith.constant 0 : i32
          %swap3A_275 = arith.index_cast %swap3A_274 : i32 to index
          %swap3A_276 = arith.index_cast %add3A_232 : i32 to index
          %swap3A_277 = arith.constant 96 : index
          %swap3A_278 = tpu.vector_load %arg6[%swap3A_275, %swap3A_276, %swap3A_277] {strides = array<i32>} : memref<2x80x128xf32, #tpu.memory_space<vmem>>, vector<1x1x16xf32>,
          %swap3A_279 = vector.shape_cast %swap3A_278 : vector<1x1x16xf32> to vector<16xf32>
          %swap3A_280 = vector.shape_cast %broadcast_in_dim3A_1 : vector<16xf32> to vector<1x1x16xf32>
          tpu.vector_store %arg6[%swap3A_275, %swap3A_276, %swap3A_277], %swap3A_280 {strides = array<i32>} : memref<2x80x128xf32, #tpu.memory_space<vmem>>, vector<1x1x16xf32>,
          %swap3A_281 = arith.constant 0 : i32
          %swap3A_282 = arith.index_cast %swap3A_281 : i32 to index
          %swap3A_283 = arith.index_cast %add3A_232 : i32 to index
          %swap3A_284 = arith.constant 112 : index
          %swap3A_285 = tpu.vector_load %arg6[%swap3A_282, %swap3A_283, %swap3A_284] {strides = array<i32>} : memref<2x80x128xf32, #tpu.memory_space<vmem>>, vector<1x1x16xf32>,
          %swap3A_286 = vector.shape_cast %swap3A_285 : vector<1x1x16xf32> to vector<16xf32>
          %swap3A_287 = vector.shape_cast %broadcast_in_dim3A_1 : vector<16xf32> to vector<1x1x16xf32>
          tpu.vector_store %arg6[%swap3A_282, %swap3A_283, %swap3A_284], %swap3A_287 {strides = array<i32>} : memref<2x80x128xf32, #tpu.memory_space<vmem>>, vector<1x1x16xf32>,
        }
        %scan3A_111 = arith.constant 80 : i32
        %run_scoped3A = arith.constant 0 : i32
        "tpu.region"() ({
          %run_scoped3A_228 = tpu.sem_alloc : memref<!tpu.dma_semaphore, #tpu.memory_space<semaphore_mem>>
          %dma_start3A_229 = arith.constant 0 : i32
          %dma_start3A_230 = arith.constant 0 : i32
          %dma_start3A_231 = tpu.memref_slice %arg5[%run_scoped3A, %dma_start3A_229, %dma_start3A_230] : memref<2x9x80xi32, #tpu.memory_space<vmem>> -> memref<1x9x80xi32, #tpu.memory_space<vmem>>
          %dma_start3A_232 = tpu.memref_squeeze %dma_start3A_231 : memref<1x9x80xi32, #tpu.memory_space<vmem>> -> memref<9x80xi32, #tpu.memory_space<vmem>>
          %dma_start3A_233 = arith.constant 0 : i32
          %dma_start3A_234 = arith.constant 0 : i32
          %dma_start3A_235 = tpu.memref_slice %arg2[%add3A_52, %dma_start3A_233, %dma_start3A_234] : memref<1250x9x80xi32, #tpu.memory_space<hbm>> -> memref<1x9x80xi32, #tpu.memory_space<hbm>>
          %dma_start3A_236 = tpu.memref_squeeze %dma_start3A_235 : memref<1x9x80xi32, #tpu.memory_space<hbm>> -> memref<9x80xi32, #tpu.memory_space<hbm>>
          %dma_start3A_237 = arith.constant 0 : i32
          %dma_start3A_238 = arith.constant 0 : i32
          %dma_start3A_239 = tpu.memref_slice %arg5[%run_scoped3A, %dma_start3A_237, %dma_start3A_238] : memref<2x9x80xi32, #tpu.memory_space<vmem>> -> memref<1x9x80xi32, #tpu.memory_space<vmem>>
          %dma_start3A_240 = tpu.memref_squeeze %dma_start3A_239 : memref<1x9x80xi32, #tpu.memory_space<vmem>> -> memref<9x80xi32, #tpu.memory_space<vmem>>
          %dma_start3A_241 = arith.constant 0 : i32
          %dma_start3A_242 = arith.constant 0 : i32
          %dma_start3A_243 = tpu.memref_slice %arg2[%add3A_52, %dma_start3A_241, %dma_start3A_242] : memref<1250x9x80xi32, #tpu.memory_space<hbm>> -> memref<1x9x80xi32, #tpu.memory_space<hbm>>
          %dma_start3A_244 = tpu.memref_squeeze %dma_start3A_243 : memref<1x9x80xi32, #tpu.memory_space<hbm>> -> memref<9x80xi32, #tpu.memory_space<hbm>>
          tpu.enqueue_dma source(%dma_start3A_244 : memref<9x80xi32, #tpu.memory_space<hbm>>) target(%dma_start3A_240 : memref<9x80xi32, #tpu.memory_space<vmem>>) target_semaphore(%run_scoped3A_228 : memref<!tpu.dma_semaphore, #tpu.memory_space<semaphore_mem>>)
          %dma_wait3A = arith.constant 0 : i32
          %dma_wait3A_245 = arith.constant 0 : i32
          %dma_wait3A_246 = tpu.memref_slice %arg5[%run_scoped3A, %dma_wait3A, %dma_wait3A_245] : memref<2x9x80xi32, #tpu.memory_space<vmem>> -> memref<1x9x80xi32, #tpu.memory_space<vmem>>
          %dma_wait3A_247 = tpu.memref_squeeze %dma_wait3A_246 : memref<1x9x80xi32, #tpu.memory_space<vmem>> -> memref<9x80xi32, #tpu.memory_space<vmem>>
          %dma_wait3A_248 = arith.constant 0 : i32
          %dma_wait3A_249 = arith.constant 0 : i32
          %dma_wait3A_250 = tpu.memref_slice %arg2[%add3A_52, %dma_wait3A_248, %dma_wait3A_249] : memref<1250x9x80xi32, #tpu.memory_space<hbm>> -> memref<1x9x80xi32, #tpu.memory_space<hbm>>
          %dma_wait3A_251 = tpu.memref_squeeze %dma_wait3A_250 : memref<1x9x80xi32, #tpu.memory_space<hbm>> -> memref<9x80xi32, #tpu.memory_space<hbm>>
          %dma_wait3A_252 = arith.constant 0 : i32
          %dma_wait3A_253 = arith.constant 0 : i32
          %dma_wait3A_254 = tpu.memref_slice %arg5[%run_scoped3A, %dma_wait3A_252, %dma_wait3A_253] : memref<2x9x80xi32, #tpu.memory_space<vmem>> -> memref<1x9x80xi32, #tpu.memory_space<vmem>>
          %dma_wait3A_255 = tpu.memref_squeeze %dma_wait3A_254 : memref<1x9x80xi32, #tpu.memory_space<vmem>> -> memref<9x80xi32, #tpu.memory_space<vmem>>
          %dma_wait3A_256 = arith.constant 0 : i32
          %dma_wait3A_257 = arith.constant 0 : i32
          %dma_wait3A_258 = tpu.memref_slice %arg2[%add3A_52, %dma_wait3A_256, %dma_wait3A_257] : memref<1250x9x80xi32, #tpu.memory_space<hbm>> -> memref<1x9x80xi32, #tpu.memory_space<hbm>>
          %dma_wait3A_259 = tpu.memref_squeeze %dma_wait3A_258 : memref<1x9x80xi32, #tpu.memory_space<hbm>> -> memref<9x80xi32, #tpu.memory_space<hbm>>
          tpu.wait_dma2 semaphore(%run_scoped3A_228 : memref<!tpu.dma_semaphore, #tpu.memory_space<semaphore_mem>>) src(%dma_wait3A_259 : memref<9x80xi32, #tpu.memory_space<hbm>>) dst(%dma_wait3A_255 : memref<9x80xi32, #tpu.memory_space<vmem>>)
          tpu.yield
        }) : () -> ()
        %dma_start3A = arith.constant 0 : i32
        %dma_start3A_112 = arith.constant 0 : i32
        %dma_start3A_113 = arith.constant 0 : i32
        %dma_start3A_114 = arith.constant 0 : i32
        %dma_start3A_115 = arith.constant 0 : i32
        %dma_start3A_116 = tpu.memref_slice %arg6[%dma_start3A_113, %dma_start3A_114, %dma_start3A_115] : memref<2x80x128xf32, #tpu.memory_space<vmem>> -> memref<1x80x128xf32, #tpu.memory_space<vmem>>
        %dma_start3A_117 = tpu.memref_squeeze %dma_start3A_116 : memref<1x80x128xf32, #tpu.memory_space<vmem>> -> memref<80x128xf32, #tpu.memory_space<vmem>>
        %dma_start3A_118 = arith.constant 0 : i32
        %dma_start3A_119 = tpu.memref_slice %arg5[%dma_start3A, %dma_start3A_112, %dma_start3A_118] : memref<2x9x80xi32, #tpu.memory_space<vmem>> -> memref<1x1x80xi32, #tpu.memory_space<vmem>>
        %dma_start3A_120 = tpu.memref_squeeze %dma_start3A_119 : memref<1x1x80xi32, #tpu.memory_space<vmem>> -> memref<80xi32, #tpu.memory_space<vmem>>
        %dma_start3A_121 = arith.constant 0 : i32
        %dma_start3A_122 = arith.constant 0 : i32
        %dma_start3A_123 = tpu.memref_slice %arg3[%dma_start3A_121, %dma_start3A_122] : memref<1071x128xf32, #tpu.memory_space<hbm>> -> memref<1071x128xf32, #tpu.memory_space<hbm>>
        tpu.enqueue_indirect_dma source(%dma_start3A_123 : memref<1071x128xf32, #tpu.memory_space<hbm>>) target(%dma_start3A_117 : memref<80x128xf32, #tpu.memory_space<vmem>>) offsets(%dma_start3A_120 : memref<80xi32, #tpu.memory_space<vmem>>) semaphore(%arg7 : memref<!tpu.dma_semaphore, #tpu.memory_space<semaphore_mem>>) {add = true}
        %dma_start3A_124 = arith.constant 0 : i32
        %dma_start3A_125 = arith.constant 1 : i32
        %dma_start3A_126 = arith.constant 0 : i32
        %dma_start3A_127 = arith.constant 0 : i32
        %dma_start3A_128 = arith.constant 0 : i32
        %dma_start3A_129 = tpu.memref_slice %arg6[%dma_start3A_126, %dma_start3A_127, %dma_start3A_128] : memref<2x80x128xf32, #tpu.memory_space<vmem>> -> memref<1x80x128xf32, #tpu.memory_space<vmem>>
        %dma_start3A_130 = tpu.memref_squeeze %dma_start3A_129 : memref<1x80x128xf32, #tpu.memory_space<vmem>> -> memref<80x128xf32, #tpu.memory_space<vmem>>
        %dma_start3A_131 = arith.constant 0 : i32
        %dma_start3A_132 = tpu.memref_slice %arg5[%dma_start3A_124, %dma_start3A_125, %dma_start3A_131] : memref<2x9x80xi32, #tpu.memory_space<vmem>> -> memref<1x1x80xi32, #tpu.memory_space<vmem>>
        %dma_start3A_133 = tpu.memref_squeeze %dma_start3A_132 : memref<1x1x80xi32, #tpu.memory_space<vmem>> -> memref<80xi32, #tpu.memory_space<vmem>>
        %dma_start3A_134 = arith.constant 0 : i32
        %dma_start3A_135 = arith.constant 0 : i32
        %dma_start3A_136 = tpu.memref_slice %arg3[%dma_start3A_134, %dma_start3A_135] : memref<1071x128xf32, #tpu.memory_space<hbm>> -> memref<1071x128xf32, #tpu.memory_space<hbm>>
        tpu.enqueue_indirect_dma source(%dma_start3A_136 : memref<1071x128xf32, #tpu.memory_space<hbm>>) target(%dma_start3A_130 : memref<80x128xf32, #tpu.memory_space<vmem>>) offsets(%dma_start3A_133 : memref<80xi32, #tpu.memory_space<vmem>>) semaphore(%arg7 : memref<!tpu.dma_semaphore, #tpu.memory_space<semaphore_mem>>) {add = true}
        %dma_start3A_137 = arith.constant 0 : i32
        %dma_start3A_138 = arith.constant 2 : i32
        %dma_start3A_139 = arith.constant 0 : i32
        %dma_start3A_140 = arith.constant 0 : i32
        %dma_start3A_141 = arith.constant 0 : i32
        %dma_start3A_142 = tpu.memref_slice %arg6[%dma_start3A_139, %dma_start3A_140, %dma_start3A_141] : memref<2x80x128xf32, #tpu.memory_space<vmem>> -> memref<1x80x128xf32, #tpu.memory_space<vmem>>
        %dma_start3A_143 = tpu.memref_squeeze %dma_start3A_142 : memref<1x80x128xf32, #tpu.memory_space<vmem>> -> memref<80x128xf32, #tpu.memory_space<vmem>>
        %dma_start3A_144 = arith.constant 0 : i32
        %dma_start3A_145 = tpu.memref_slice %arg5[%dma_start3A_137, %dma_start3A_138, %dma_start3A_144] : memref<2x9x80xi32, #tpu.memory_space<vmem>> -> memref<1x1x80xi32, #tpu.memory_space<vmem>>
        %dma_start3A_146 = tpu.memref_squeeze %dma_start3A_145 : memref<1x1x80xi32, #tpu.memory_space<vmem>> -> memref<80xi32, #tpu.memory_space<vmem>>
        %dma_start3A_147 = arith.constant 0 : i32
        %dma_start3A_148 = arith.constant 0 : i32
        %dma_start3A_149 = tpu.memref_slice %arg3[%dma_start3A_147, %dma_start3A_148] : memref<1071x128xf32, #tpu.memory_space<hbm>> -> memref<1071x128xf32, #tpu.memory_space<hbm>>
        tpu.enqueue_indirect_dma source(%dma_start3A_149 : memref<1071x128xf32, #tpu.memory_space<hbm>>) target(%dma_start3A_143 : memref<80x128xf32, #tpu.memory_space<vmem>>) offsets(%dma_start3A_146 : memref<80xi32, #tpu.memory_space<vmem>>) semaphore(%arg7 : memref<!tpu.dma_semaphore, #tpu.memory_space<semaphore_mem>>) {add = true}
        %dma_start3A_150 = arith.constant 0 : i32
        %dma_start3A_151 = arith.constant 3 : i32
        %dma_start3A_152 = arith.constant 0 : i32
        %dma_start3A_153 = arith.constant 0 : i32
        %dma_start3A_154 = arith.constant 0 : i32
        %dma_start3A_155 = tpu.memref_slice %arg6[%dma_start3A_152, %dma_start3A_153, %dma_start3A_154] : memref<2x80x128xf32, #tpu.memory_space<vmem>> -> memref<1x80x128xf32, #tpu.memory_space<vmem>>
        %dma_start3A_156 = tpu.memref_squeeze %dma_start3A_155 : memref<1x80x128xf32, #tpu.memory_space<vmem>> -> memref<80x128xf32, #tpu.memory_space<vmem>>
        %dma_start3A_157 = arith.constant 0 : i32
        %dma_start3A_158 = tpu.memref_slice %arg5[%dma_start3A_150, %dma_start3A_151, %dma_start3A_157] : memref<2x9x80xi32, #tpu.memory_space<vmem>> -> memref<1x1x80xi32, #tpu.memory_space<vmem>>
        %dma_start3A_159 = tpu.memref_squeeze %dma_start3A_158 : memref<1x1x80xi32, #tpu.memory_space<vmem>> -> memref<80xi32, #tpu.memory_space<vmem>>
        %dma_start3A_160 = arith.constant 0 : i32
        %dma_start3A_161 = arith.constant 0 : i32
        %dma_start3A_162 = tpu.memref_slice %arg3[%dma_start3A_160, %dma_start3A_161] : memref<1071x128xf32, #tpu.memory_space<hbm>> -> memref<1071x128xf32, #tpu.memory_space<hbm>>
        tpu.enqueue_indirect_dma source(%dma_start3A_162 : memref<1071x128xf32, #tpu.memory_space<hbm>>) target(%dma_start3A_156 : memref<80x128xf32, #tpu.memory_space<vmem>>) offsets(%dma_start3A_159 : memref<80xi32, #tpu.memory_space<vmem>>) semaphore(%arg7 : memref<!tpu.dma_semaphore, #tpu.memory_space<semaphore_mem>>) {add = true}
        %dma_start3A_163 = arith.constant 0 : i32
        %dma_start3A_164 = arith.constant 4 : i32
        %dma_start3A_165 = arith.constant 0 : i32
        %dma_start3A_166 = arith.constant 0 : i32
        %dma_start3A_167 = arith.constant 0 : i32
        %dma_start3A_168 = tpu.memref_slice %arg6[%dma_start3A_165, %dma_start3A_166, %dma_start3A_167] : memref<2x80x128xf32, #tpu.memory_space<vmem>> -> memref<1x80x128xf32, #tpu.memory_space<vmem>>
        %dma_start3A_169 = tpu.memref_squeeze %dma_start3A_168 : memref<1x80x128xf32, #tpu.memory_space<vmem>> -> memref<80x128xf32, #tpu.memory_space<vmem>>
        %dma_start3A_170 = arith.constant 0 : i32
        %dma_start3A_171 = tpu.memref_slice %arg5[%dma_start3A_163, %dma_start3A_164, %dma_start3A_170] : memref<2x9x80xi32, #tpu.memory_space<vmem>> -> memref<1x1x80xi32, #tpu.memory_space<vmem>>
        %dma_start3A_172 = tpu.memref_squeeze %dma_start3A_171 : memref<1x1x80xi32, #tpu.memory_space<vmem>> -> memref<80xi32, #tpu.memory_space<vmem>>
        %dma_start3A_173 = arith.constant 0 : i32
        %dma_start3A_174 = arith.constant 0 : i32
        %dma_start3A_175 = tpu.memref_slice %arg3[%dma_start3A_173, %dma_start3A_174] : memref<1071x128xf32, #tpu.memory_space<hbm>> -> memref<1071x128xf32, #tpu.memory_space<hbm>>
        tpu.enqueue_indirect_dma source(%dma_start3A_175 : memref<1071x128xf32, #tpu.memory_space<hbm>>) target(%dma_start3A_169 : memref<80x128xf32, #tpu.memory_space<vmem>>) offsets(%dma_start3A_172 : memref<80xi32, #tpu.memory_space<vmem>>) semaphore(%arg7 : memref<!tpu.dma_semaphore, #tpu.memory_space<semaphore_mem>>) {add = true}
        %dma_start3A_176 = arith.constant 0 : i32
        %dma_start3A_177 = arith.constant 5 : i32
        %dma_start3A_178 = arith.constant 0 : i32
        %dma_start3A_179 = arith.constant 0 : i32
        %dma_start3A_180 = arith.constant 0 : i32
        %dma_start3A_181 = tpu.memref_slice %arg6[%dma_start3A_178, %dma_start3A_179, %dma_start3A_180] : memref<2x80x128xf32, #tpu.memory_space<vmem>> -> memref<1x80x128xf32, #tpu.memory_space<vmem>>
        %dma_start3A_182 = tpu.memref_squeeze %dma_start3A_181 : memref<1x80x128xf32, #tpu.memory_space<vmem>> -> memref<80x128xf32, #tpu.memory_space<vmem>>
        %dma_start3A_183 = arith.constant 0 : i32
        %dma_start3A_184 = tpu.memref_slice %arg5[%dma_start3A_176, %dma_start3A_177, %dma_start3A_183] : memref<2x9x80xi32, #tpu.memory_space<vmem>> -> memref<1x1x80xi32, #tpu.memory_space<vmem>>
        %dma_start3A_185 = tpu.memref_squeeze %dma_start3A_184 : memref<1x1x80xi32, #tpu.memory_space<vmem>> -> memref<80xi32, #tpu.memory_space<vmem>>
        %dma_start3A_186 = arith.constant 0 : i32
        %dma_start3A_187 = arith.constant 0 : i32
        %dma_start3A_188 = tpu.memref_slice %arg3[%dma_start3A_186, %dma_start3A_187] : memref<1071x128xf32, #tpu.memory_space<hbm>> -> memref<1071x128xf32, #tpu.memory_space<hbm>>
        tpu.enqueue_indirect_dma source(%dma_start3A_188 : memref<1071x128xf32, #tpu.memory_space<hbm>>) target(%dma_start3A_182 : memref<80x128xf32, #tpu.memory_space<vmem>>) offsets(%dma_start3A_185 : memref<80xi32, #tpu.memory_space<vmem>>) semaphore(%arg7 : memref<!tpu.dma_semaphore, #tpu.memory_space<semaphore_mem>>) {add = true}
        %dma_start3A_189 = arith.constant 0 : i32
        %dma_start3A_190 = arith.constant 6 : i32
        %dma_start3A_191 = arith.constant 0 : i32
        %dma_start3A_192 = arith.constant 0 : i32
        %dma_start3A_193 = arith.constant 0 : i32
        %dma_start3A_194 = tpu.memref_slice %arg6[%dma_start3A_191, %dma_start3A_192, %dma_start3A_193] : memref<2x80x128xf32, #tpu.memory_space<vmem>> -> memref<1x80x128xf32, #tpu.memory_space<vmem>>
        %dma_start3A_195 = tpu.memref_squeeze %dma_start3A_194 : memref<1x80x128xf32, #tpu.memory_space<vmem>> -> memref<80x128xf32, #tpu.memory_space<vmem>>
        %dma_start3A_196 = arith.constant 0 : i32
        %dma_start3A_197 = tpu.memref_slice %arg5[%dma_start3A_189, %dma_start3A_190, %dma_start3A_196] : memref<2x9x80xi32, #tpu.memory_space<vmem>> -> memref<1x1x80xi32, #tpu.memory_space<vmem>>
        %dma_start3A_198 = tpu.memref_squeeze %dma_start3A_197 : memref<1x1x80xi32, #tpu.memory_space<vmem>> -> memref<80xi32, #tpu.memory_space<vmem>>
        %dma_start3A_199 = arith.constant 0 : i32
        %dma_start3A_200 = arith.constant 0 : i32
        %dma_start3A_201 = tpu.memref_slice %arg3[%dma_start3A_199, %dma_start3A_200] : memref<1071x128xf32, #tpu.memory_space<hbm>> -> memref<1071x128xf32, #tpu.memory_space<hbm>>
        tpu.enqueue_indirect_dma source(%dma_start3A_201 : memref<1071x128xf32, #tpu.memory_space<hbm>>) target(%dma_start3A_195 : memref<80x128xf32, #tpu.memory_space<vmem>>) offsets(%dma_start3A_198 : memref<80xi32, #tpu.memory_space<vmem>>) semaphore(%arg7 : memref<!tpu.dma_semaphore, #tpu.memory_space<semaphore_mem>>) {add = true}
        %dma_start3A_202 = arith.constant 0 : i32
        %dma_start3A_203 = arith.constant 7 : i32
        %dma_start3A_204 = arith.constant 0 : i32
        %dma_start3A_205 = arith.constant 0 : i32
        %dma_start3A_206 = arith.constant 0 : i32
        %dma_start3A_207 = tpu.memref_slice %arg6[%dma_start3A_204, %dma_start3A_205, %dma_start3A_206] : memref<2x80x128xf32, #tpu.memory_space<vmem>> -> memref<1x80x128xf32, #tpu.memory_space<vmem>>
        %dma_start3A_208 = tpu.memref_squeeze %dma_start3A_207 : memref<1x80x128xf32, #tpu.memory_space<vmem>> -> memref<80x128xf32, #tpu.memory_space<vmem>>
        %dma_start3A_209 = arith.constant 0 : i32
        %dma_start3A_210 = tpu.memref_slice %arg5[%dma_start3A_202, %dma_start3A_203, %dma_start3A_209] : memref<2x9x80xi32, #tpu.memory_space<vmem>> -> memref<1x1x80xi32, #tpu.memory_space<vmem>>
        %dma_start3A_211 = tpu.memref_squeeze %dma_start3A_210 : memref<1x1x80xi32, #tpu.memory_space<vmem>> -> memref<80xi32, #tpu.memory_space<vmem>>
        %dma_start3A_212 = arith.constant 0 : i32
        %dma_start3A_213 = arith.constant 0 : i32
        %dma_start3A_214 = tpu.memref_slice %arg3[%dma_start3A_212, %dma_start3A_213] : memref<1071x128xf32, #tpu.memory_space<hbm>> -> memref<1071x128xf32, #tpu.memory_space<hbm>>
        tpu.enqueue_indirect_dma source(%dma_start3A_214 : memref<1071x128xf32, #tpu.memory_space<hbm>>) target(%dma_start3A_208 : memref<80x128xf32, #tpu.memory_space<vmem>>) offsets(%dma_start3A_211 : memref<80xi32, #tpu.memory_space<vmem>>) semaphore(%arg7 : memref<!tpu.dma_semaphore, #tpu.memory_space<semaphore_mem>>) {add = true}
        %dma_start3A_215 = arith.constant 0 : i32
        %dma_start3A_216 = arith.constant 8 : i32
        %dma_start3A_217 = arith.constant 0 : i32
        %dma_start3A_218 = arith.constant 0 : i32
        %dma_start3A_219 = arith.constant 0 : i32
        %dma_start3A_220 = tpu.memref_slice %arg6[%dma_start3A_217, %dma_start3A_218, %dma_start3A_219] : memref<2x80x128xf32, #tpu.memory_space<vmem>> -> memref<1x80x128xf32, #tpu.memory_space<vmem>>
        %dma_start3A_221 = tpu.memref_squeeze %dma_start3A_220 : memref<1x80x128xf32, #tpu.memory_space<vmem>> -> memref<80x128xf32, #tpu.memory_space<vmem>>
        %dma_start3A_222 = arith.constant 0 : i32
        %dma_start3A_223 = tpu.memref_slice %arg5[%dma_start3A_215, %dma_start3A_216, %dma_start3A_222] : memref<2x9x80xi32, #tpu.memory_space<vmem>> -> memref<1x1x80xi32, #tpu.memory_space<vmem>>
        %dma_start3A_224 = tpu.memref_squeeze %dma_start3A_223 : memref<1x1x80xi32, #tpu.memory_space<vmem>> -> memref<80xi32, #tpu.memory_space<vmem>>
        %dma_start3A_225 = arith.constant 0 : i32
        %dma_start3A_226 = arith.constant 0 : i32
        %dma_start3A_227 = tpu.memref_slice %arg3[%dma_start3A_225, %dma_start3A_226] : memref<1071x128xf32, #tpu.memory_space<hbm>> -> memref<1071x128xf32, #tpu.memory_space<hbm>>
        tpu.enqueue_indirect_dma source(%dma_start3A_227 : memref<1071x128xf32, #tpu.memory_space<hbm>>) target(%dma_start3A_221 : memref<80x128xf32, #tpu.memory_space<vmem>>) offsets(%dma_start3A_224 : memref<80xi32, #tpu.memory_space<vmem>>) semaphore(%arg7 : memref<!tpu.dma_semaphore, #tpu.memory_space<semaphore_mem>>) {add = true}
      } else {
      }
      %sub3A_58 = arith.constant 1 : i32
      %sub3A_59 = arith.subi %add3A_37, %sub3A_58 : i32
      %mul3A_60 = arith.constant 32 : i32
      %mul3A_61 = arith.muli %sub3A_59, %mul3A_60 : i32
      %add3A_62 = arith.addi %mul3A_61, %add3A : i32
      %ge3A_63 = arith.constant 0 : i32
      %ge3A_64 = arith.cmpi sge, %add3A_62, %ge3A_63 : i32
      %lt3A_65 = arith.constant 1250 : i32
      %lt3A_66 = arith.cmpi slt, %add3A_62, %lt3A_65 : i32
      %and3A_67 = arith.andi %ge3A_64, %lt3A_66 : i1
      %convert_element_type3A_68 = arith.extui %and3A_67 : i1 to i32
      %cond3A_69 = arith.constant 0 : i32
      %cond3A_70 = arith.cmpi ne, %convert_element_type3A_68, %cond3A_69 : i32
      scf.if %cond3A_70 {
        %dma_wait3A = arith.constant 1 : i32
        %dma_wait3A_107 = arith.constant 0 : i32
        %dma_wait3A_108 = arith.constant 1 : i32
        %dma_wait3A_109 = arith.constant 0 : i32
        %dma_wait3A_110 = arith.constant 0 : i32
        %dma_wait3A_111 = tpu.memref_slice %arg6[%dma_wait3A_108, %dma_wait3A_109, %dma_wait3A_110] : memref<2x80x128xf32, #tpu.memory_space<vmem>> -> memref<1x80x128xf32, #tpu.memory_space<vmem>>
        %dma_wait3A_112 = tpu.memref_squeeze %dma_wait3A_111 : memref<1x80x128xf32, #tpu.memory_space<vmem>> -> memref<80x128xf32, #tpu.memory_space<vmem>>
        %dma_wait3A_113 = arith.constant 0 : i32
        %dma_wait3A_114 = tpu.memref_slice %arg5[%dma_wait3A, %dma_wait3A_107, %dma_wait3A_113] : memref<2x9x80xi32, #tpu.memory_space<vmem>> -> memref<1x1x80xi32, #tpu.memory_space<vmem>>
        %dma_wait3A_115 = tpu.memref_squeeze %dma_wait3A_114 : memref<1x1x80xi32, #tpu.memory_space<vmem>> -> memref<80xi32, #tpu.memory_space<vmem>>
        %dma_wait3A_116 = arith.constant 0 : i32
        %dma_wait3A_117 = arith.constant 0 : i32
        %dma_wait3A_118 = tpu.memref_slice %arg3[%dma_wait3A_116, %dma_wait3A_117] : memref<1071x128xf32, #tpu.memory_space<hbm>> -> memref<1071x128xf32, #tpu.memory_space<hbm>>
        tpu.wait_indirect_dma semaphore(%arg8 : memref<!tpu.dma_semaphore, #tpu.memory_space<semaphore_mem>>) src(%dma_wait3A_118 : memref<1071x128xf32, #tpu.memory_space<hbm>>) dst(%dma_wait3A_112 : memref<80x128xf32, #tpu.memory_space<vmem>>)
        %dma_wait3A_119 = arith.constant 1 : i32
        %dma_wait3A_120 = arith.constant 1 : i32
        %dma_wait3A_121 = arith.constant 1 : i32
        %dma_wait3A_122 = arith.constant 0 : i32
        %dma_wait3A_123 = arith.constant 0 : i32
        %dma_wait3A_124 = tpu.memref_slice %arg6[%dma_wait3A_121, %dma_wait3A_122, %dma_wait3A_123] : memref<2x80x128xf32, #tpu.memory_space<vmem>> -> memref<1x80x128xf32, #tpu.memory_space<vmem>>
        %dma_wait3A_125 = tpu.memref_squeeze %dma_wait3A_124 : memref<1x80x128xf32, #tpu.memory_space<vmem>> -> memref<80x128xf32, #tpu.memory_space<vmem>>
        %dma_wait3A_126 = arith.constant 0 : i32
        %dma_wait3A_127 = tpu.memref_slice %arg5[%dma_wait3A_119, %dma_wait3A_120, %dma_wait3A_126] : memref<2x9x80xi32, #tpu.memory_space<vmem>> -> memref<1x1x80xi32, #tpu.memory_space<vmem>>
        %dma_wait3A_128 = tpu.memref_squeeze %dma_wait3A_127 : memref<1x1x80xi32, #tpu.memory_space<vmem>> -> memref<80xi32, #tpu.memory_space<vmem>>
        %dma_wait3A_129 = arith.constant 0 : i32
        %dma_wait3A_130 = arith.constant 0 : i32
        %dma_wait3A_131 = tpu.memref_slice %arg3[%dma_wait3A_129, %dma_wait3A_130] : memref<1071x128xf32, #tpu.memory_space<hbm>> -> memref<1071x128xf32, #tpu.memory_space<hbm>>
        tpu.wait_indirect_dma semaphore(%arg8 : memref<!tpu.dma_semaphore, #tpu.memory_space<semaphore_mem>>) src(%dma_wait3A_131 : memref<1071x128xf32, #tpu.memory_space<hbm>>) dst(%dma_wait3A_125 : memref<80x128xf32, #tpu.memory_space<vmem>>)
        %dma_wait3A_132 = arith.constant 1 : i32
        %dma_wait3A_133 = arith.constant 2 : i32
        %dma_wait3A_134 = arith.constant 1 : i32
        %dma_wait3A_135 = arith.constant 0 : i32
        %dma_wait3A_136 = arith.constant 0 : i32
        %dma_wait3A_137 = tpu.memref_slice %arg6[%dma_wait3A_134, %dma_wait3A_135, %dma_wait3A_136] : memref<2x80x128xf32, #tpu.memory_space<vmem>> -> memref<1x80x128xf32, #tpu.memory_space<vmem>>
        %dma_wait3A_138 = tpu.memref_squeeze %dma_wait3A_137 : memref<1x80x128xf32, #tpu.memory_space<vmem>> -> memref<80x128xf32, #tpu.memory_space<vmem>>
        %dma_wait3A_139 = arith.constant 0 : i32
        %dma_wait3A_140 = tpu.memref_slice %arg5[%dma_wait3A_132, %dma_wait3A_133, %dma_wait3A_139] : memref<2x9x80xi32, #tpu.memory_space<vmem>> -> memref<1x1x80xi32, #tpu.memory_space<vmem>>
        %dma_wait3A_141 = tpu.memref_squeeze %dma_wait3A_140 : memref<1x1x80xi32, #tpu.memory_space<vmem>> -> memref<80xi32, #tpu.memory_space<vmem>>
        %dma_wait3A_142 = arith.constant 0 : i32
        %dma_wait3A_143 = arith.constant 0 : i32
        %dma_wait3A_144 = tpu.memref_slice %arg3[%dma_wait3A_142, %dma_wait3A_143] : memref<1071x128xf32, #tpu.memory_space<hbm>> -> memref<1071x128xf32, #tpu.memory_space<hbm>>
        tpu.wait_indirect_dma semaphore(%arg8 : memref<!tpu.dma_semaphore, #tpu.memory_space<semaphore_mem>>) src(%dma_wait3A_144 : memref<1071x128xf32, #tpu.memory_space<hbm>>) dst(%dma_wait3A_138 : memref<80x128xf32, #tpu.memory_space<vmem>>)
        %dma_wait3A_145 = arith.constant 1 : i32
        %dma_wait3A_146 = arith.constant 3 : i32
        %dma_wait3A_147 = arith.constant 1 : i32
        %dma_wait3A_148 = arith.constant 0 : i32
        %dma_wait3A_149 = arith.constant 0 : i32
        %dma_wait3A_150 = tpu.memref_slice %arg6[%dma_wait3A_147, %dma_wait3A_148, %dma_wait3A_149] : memref<2x80x128xf32, #tpu.memory_space<vmem>> -> memref<1x80x128xf32, #tpu.memory_space<vmem>>
        %dma_wait3A_151 = tpu.memref_squeeze %dma_wait3A_150 : memref<1x80x128xf32, #tpu.memory_space<vmem>> -> memref<80x128xf32, #tpu.memory_space<vmem>>
        %dma_wait3A_152 = arith.constant 0 : i32
        %dma_wait3A_153 = tpu.memref_slice %arg5[%dma_wait3A_145, %dma_wait3A_146, %dma_wait3A_152] : memref<2x9x80xi32, #tpu.memory_space<vmem>> -> memref<1x1x80xi32, #tpu.memory_space<vmem>>
        %dma_wait3A_154 = tpu.memref_squeeze %dma_wait3A_153 : memref<1x1x80xi32, #tpu.memory_space<vmem>> -> memref<80xi32, #tpu.memory_space<vmem>>
        %dma_wait3A_155 = arith.constant 0 : i32
        %dma_wait3A_156 = arith.constant 0 : i32
        %dma_wait3A_157 = tpu.memref_slice %arg3[%dma_wait3A_155, %dma_wait3A_156] : memref<1071x128xf32, #tpu.memory_space<hbm>> -> memref<1071x128xf32, #tpu.memory_space<hbm>>
        tpu.wait_indirect_dma semaphore(%arg8 : memref<!tpu.dma_semaphore, #tpu.memory_space<semaphore_mem>>) src(%dma_wait3A_157 : memref<1071x128xf32, #tpu.memory_space<hbm>>) dst(%dma_wait3A_151 : memref<80x128xf32, #tpu.memory_space<vmem>>)
        %dma_wait3A_158 = arith.constant 1 : i32
        %dma_wait3A_159 = arith.constant 4 : i32
        %dma_wait3A_160 = arith.constant 1 : i32
        %dma_wait3A_161 = arith.constant 0 : i32
        %dma_wait3A_162 = arith.constant 0 : i32
        %dma_wait3A_163 = tpu.memref_slice %arg6[%dma_wait3A_160, %dma_wait3A_161, %dma_wait3A_162] : memref<2x80x128xf32, #tpu.memory_space<vmem>> -> memref<1x80x128xf32, #tpu.memory_space<vmem>>
        %dma_wait3A_164 = tpu.memref_squeeze %dma_wait3A_163 : memref<1x80x128xf32, #tpu.memory_space<vmem>> -> memref<80x128xf32, #tpu.memory_space<vmem>>
        %dma_wait3A_165 = arith.constant 0 : i32
        %dma_wait3A_166 = tpu.memref_slice %arg5[%dma_wait3A_158, %dma_wait3A_159, %dma_wait3A_165] : memref<2x9x80xi32, #tpu.memory_space<vmem>> -> memref<1x1x80xi32, #tpu.memory_space<vmem>>
        %dma_wait3A_167 = tpu.memref_squeeze %dma_wait3A_166 : memref<1x1x80xi32, #tpu.memory_space<vmem>> -> memref<80xi32, #tpu.memory_space<vmem>>
        %dma_wait3A_168 = arith.constant 0 : i32
        %dma_wait3A_169 = arith.constant 0 : i32
        %dma_wait3A_170 = tpu.memref_slice %arg3[%dma_wait3A_168, %dma_wait3A_169] : memref<1071x128xf32, #tpu.memory_space<hbm>> -> memref<1071x128xf32, #tpu.memory_space<hbm>>
        tpu.wait_indirect_dma semaphore(%arg8 : memref<!tpu.dma_semaphore, #tpu.memory_space<semaphore_mem>>) src(%dma_wait3A_170 : memref<1071x128xf32, #tpu.memory_space<hbm>>) dst(%dma_wait3A_164 : memref<80x128xf32, #tpu.memory_space<vmem>>)
        %dma_wait3A_171 = arith.constant 1 : i32
        %dma_wait3A_172 = arith.constant 5 : i32
        %dma_wait3A_173 = arith.constant 1 : i32
        %dma_wait3A_174 = arith.constant 0 : i32
        %dma_wait3A_175 = arith.constant 0 : i32
        %dma_wait3A_176 = tpu.memref_slice %arg6[%dma_wait3A_173, %dma_wait3A_174, %dma_wait3A_175] : memref<2x80x128xf32, #tpu.memory_space<vmem>> -> memref<1x80x128xf32, #tpu.memory_space<vmem>>
        %dma_wait3A_177 = tpu.memref_squeeze %dma_wait3A_176 : memref<1x80x128xf32, #tpu.memory_space<vmem>> -> memref<80x128xf32, #tpu.memory_space<vmem>>
        %dma_wait3A_178 = arith.constant 0 : i32
        %dma_wait3A_179 = tpu.memref_slice %arg5[%dma_wait3A_171, %dma_wait3A_172, %dma_wait3A_178] : memref<2x9x80xi32, #tpu.memory_space<vmem>> -> memref<1x1x80xi32, #tpu.memory_space<vmem>>
        %dma_wait3A_180 = tpu.memref_squeeze %dma_wait3A_179 : memref<1x1x80xi32, #tpu.memory_space<vmem>> -> memref<80xi32, #tpu.memory_space<vmem>>
        %dma_wait3A_181 = arith.constant 0 : i32
        %dma_wait3A_182 = arith.constant 0 : i32
        %dma_wait3A_183 = tpu.memref_slice %arg3[%dma_wait3A_181, %dma_wait3A_182] : memref<1071x128xf32, #tpu.memory_space<hbm>> -> memref<1071x128xf32, #tpu.memory_space<hbm>>
        tpu.wait_indirect_dma semaphore(%arg8 : memref<!tpu.dma_semaphore, #tpu.memory_space<semaphore_mem>>) src(%dma_wait3A_183 : memref<1071x128xf32, #tpu.memory_space<hbm>>) dst(%dma_wait3A_177 : memref<80x128xf32, #tpu.memory_space<vmem>>)
        %dma_wait3A_184 = arith.constant 1 : i32
        %dma_wait3A_185 = arith.constant 6 : i32
        %dma_wait3A_186 = arith.constant 1 : i32
        %dma_wait3A_187 = arith.constant 0 : i32
        %dma_wait3A_188 = arith.constant 0 : i32
        %dma_wait3A_189 = tpu.memref_slice %arg6[%dma_wait3A_186, %dma_wait3A_187, %dma_wait3A_188] : memref<2x80x128xf32, #tpu.memory_space<vmem>> -> memref<1x80x128xf32, #tpu.memory_space<vmem>>
        %dma_wait3A_190 = tpu.memref_squeeze %dma_wait3A_189 : memref<1x80x128xf32, #tpu.memory_space<vmem>> -> memref<80x128xf32, #tpu.memory_space<vmem>>
        %dma_wait3A_191 = arith.constant 0 : i32
        %dma_wait3A_192 = tpu.memref_slice %arg5[%dma_wait3A_184, %dma_wait3A_185, %dma_wait3A_191] : memref<2x9x80xi32, #tpu.memory_space<vmem>> -> memref<1x1x80xi32, #tpu.memory_space<vmem>>
        %dma_wait3A_193 = tpu.memref_squeeze %dma_wait3A_192 : memref<1x1x80xi32, #tpu.memory_space<vmem>> -> memref<80xi32, #tpu.memory_space<vmem>>
        %dma_wait3A_194 = arith.constant 0 : i32
        %dma_wait3A_195 = arith.constant 0 : i32
        %dma_wait3A_196 = tpu.memref_slice %arg3[%dma_wait3A_194, %dma_wait3A_195] : memref<1071x128xf32, #tpu.memory_space<hbm>> -> memref<1071x128xf32, #tpu.memory_space<hbm>>
        tpu.wait_indirect_dma semaphore(%arg8 : memref<!tpu.dma_semaphore, #tpu.memory_space<semaphore_mem>>) src(%dma_wait3A_196 : memref<1071x128xf32, #tpu.memory_space<hbm>>) dst(%dma_wait3A_190 : memref<80x128xf32, #tpu.memory_space<vmem>>)
        %dma_wait3A_197 = arith.constant 1 : i32
        %dma_wait3A_198 = arith.constant 7 : i32
        %dma_wait3A_199 = arith.constant 1 : i32
        %dma_wait3A_200 = arith.constant 0 : i32
        %dma_wait3A_201 = arith.constant 0 : i32
        %dma_wait3A_202 = tpu.memref_slice %arg6[%dma_wait3A_199, %dma_wait3A_200, %dma_wait3A_201] : memref<2x80x128xf32, #tpu.memory_space<vmem>> -> memref<1x80x128xf32, #tpu.memory_space<vmem>>
        %dma_wait3A_203 = tpu.memref_squeeze %dma_wait3A_202 : memref<1x80x128xf32, #tpu.memory_space<vmem>> -> memref<80x128xf32, #tpu.memory_space<vmem>>
        %dma_wait3A_204 = arith.constant 0 : i32
        %dma_wait3A_205 = tpu.memref_slice %arg5[%dma_wait3A_197, %dma_wait3A_198, %dma_wait3A_204] : memref<2x9x80xi32, #tpu.memory_space<vmem>> -> memref<1x1x80xi32, #tpu.memory_space<vmem>>
        %dma_wait3A_206 = tpu.memref_squeeze %dma_wait3A_205 : memref<1x1x80xi32, #tpu.memory_space<vmem>> -> memref<80xi32, #tpu.memory_space<vmem>>
        %dma_wait3A_207 = arith.constant 0 : i32
        %dma_wait3A_208 = arith.constant 0 : i32
        %dma_wait3A_209 = tpu.memref_slice %arg3[%dma_wait3A_207, %dma_wait3A_208] : memref<1071x128xf32, #tpu.memory_space<hbm>> -> memref<1071x128xf32, #tpu.memory_space<hbm>>
        tpu.wait_indirect_dma semaphore(%arg8 : memref<!tpu.dma_semaphore, #tpu.memory_space<semaphore_mem>>) src(%dma_wait3A_209 : memref<1071x128xf32, #tpu.memory_space<hbm>>) dst(%dma_wait3A_203 : memref<80x128xf32, #tpu.memory_space<vmem>>)
        %dma_wait3A_210 = arith.constant 1 : i32
        %dma_wait3A_211 = arith.constant 8 : i32
        %dma_wait3A_212 = arith.constant 1 : i32
        %dma_wait3A_213 = arith.constant 0 : i32
        %dma_wait3A_214 = arith.constant 0 : i32
        %dma_wait3A_215 = tpu.memref_slice %arg6[%dma_wait3A_212, %dma_wait3A_213, %dma_wait3A_214] : memref<2x80x128xf32, #tpu.memory_space<vmem>> -> memref<1x80x128xf32, #tpu.memory_space<vmem>>
        %dma_wait3A_216 = tpu.memref_squeeze %dma_wait3A_215 : memref<1x80x128xf32, #tpu.memory_space<vmem>> -> memref<80x128xf32, #tpu.memory_space<vmem>>
        %dma_wait3A_217 = arith.constant 0 : i32
        %dma_wait3A_218 = tpu.memref_slice %arg5[%dma_wait3A_210, %dma_wait3A_211, %dma_wait3A_217] : memref<2x9x80xi32, #tpu.memory_space<vmem>> -> memref<1x1x80xi32, #tpu.memory_space<vmem>>
        %dma_wait3A_219 = tpu.memref_squeeze %dma_wait3A_218 : memref<1x1x80xi32, #tpu.memory_space<vmem>> -> memref<80xi32, #tpu.memory_space<vmem>>
        %dma_wait3A_220 = arith.constant 0 : i32
        %dma_wait3A_221 = arith.constant 0 : i32
        %dma_wait3A_222 = tpu.memref_slice %arg3[%dma_wait3A_220, %dma_wait3A_221] : memref<1071x128xf32, #tpu.memory_space<hbm>> -> memref<1071x128xf32, #tpu.memory_space<hbm>>
        tpu.wait_indirect_dma semaphore(%arg8 : memref<!tpu.dma_semaphore, #tpu.memory_space<semaphore_mem>>) src(%dma_wait3A_222 : memref<1071x128xf32, #tpu.memory_space<hbm>>) dst(%dma_wait3A_216 : memref<80x128xf32, #tpu.memory_space<vmem>>)
        %mul3A_223 = arith.constant 80 : i32
        %mul3A_224 = arith.muli %add3A_62, %mul3A_223 : i32
        %dma_start3A = arith.constant 1 : i32
        %dma_start3A_225 = arith.constant 0 : i32
        %dma_start3A_226 = arith.constant 0 : i32
        %dma_start3A_227 = tpu.memref_slice %arg6[%dma_start3A, %dma_start3A_225, %dma_start3A_226] : memref<2x80x128xf32, #tpu.memory_space<vmem>> -> memref<1x80x128xf32, #tpu.memory_space<vmem>>
        %dma_start3A_228 = tpu.memref_squeeze %dma_start3A_227 : memref<1x80x128xf32, #tpu.memory_space<vmem>> -> memref<80x128xf32, #tpu.memory_space<vmem>>
        %dma_start3A_229 = arith.constant 0 : i32
        %dma_start3A_230 = tpu.memref_slice %arg4[%mul3A_224, %dma_start3A_229] : memref<100000x128xf32, #tpu.memory_space<hbm>> -> memref<80x128xf32, #tpu.memory_space<hbm>>
        %dma_start3A_231 = arith.constant 0 : i32
        %dma_start3A_232 = tpu.memref_slice %arg4[%mul3A_224, %dma_start3A_231] : memref<100000x128xf32, #tpu.memory_space<hbm>> -> memref<80x128xf32, #tpu.memory_space<hbm>>
        %dma_start3A_233 = arith.constant 0 : i32
        %dma_start3A_234 = arith.constant 0 : i32
        %dma_start3A_235 = tpu.memref_slice %arg6[%dma_start3A, %dma_start3A_233, %dma_start3A_234] : memref<2x80x128xf32, #tpu.memory_space<vmem>> -> memref<1x80x128xf32, #tpu.memory_space<vmem>>
        %dma_start3A_236 = tpu.memref_squeeze %dma_start3A_235 : memref<1x80x128xf32, #tpu.memory_space<vmem>> -> memref<80x128xf32, #tpu.memory_space<vmem>>
        tpu.enqueue_dma source(%dma_start3A_236 : memref<80x128xf32, #tpu.memory_space<vmem>>) target(%dma_start3A_232 : memref<80x128xf32, #tpu.memory_space<hbm>>) target_semaphore(%arg10 : memref<!tpu.dma_semaphore, #tpu.memory_space<semaphore_mem>>)
      } else {
      }
      %add3A_71 = arith.constant 1 : i32
      %add3A_72 = arith.addi %add3A_35, %add3A_71 : i32
      %sub3A_73 = arith.constant 2 : i32
      %sub3A_74 = arith.subi %add3A_72, %sub3A_73 : i32
      %mul3A_75 = arith.constant 32 : i32
      %mul3A_76 = arith.muli %sub3A_74, %mul3A_75 : i32
      %add3A_77 = arith.addi %mul3A_76, %add3A : i32
      %ge3A_78 = arith.constant 0 : i32
      %ge3A_79 = arith.cmpi sge, %add3A_77, %ge3A_78 : i32
      %lt3A_80 = arith.constant 1250 : i32
      %lt3A_81 = arith.cmpi slt, %add3A_77, %lt3A_80 : i32
      %and3A_82 = arith.andi %ge3A_79, %lt3A_81 : i1
      %convert_element_type3A_83 = arith.extui %and3A_82 : i1 to i32
      %cond3A_84 = arith.constant 0 : i32
      %cond3A_85 = arith.cmpi ne, %convert_element_type3A_83, %cond3A_84 : i32
      scf.if %cond3A_85 {
        %mul3A_107 = arith.constant 80 : i32
        %mul3A_108 = arith.muli %add3A_77, %mul3A_107 : i32
        %dma_wait3A = arith.constant 1 : i32
        %dma_wait3A_109 = arith.constant 0 : i32
        %dma_wait3A_110 = arith.constant 0 : i32
        %dma_wait3A_111 = tpu.memref_slice %arg6[%dma_wait3A, %dma_wait3A_109, %dma_wait3A_110] : memref<2x80x128xf32, #tpu.memory_space<vmem>> -> memref<1x80x128xf32, #tpu.memory_space<vmem>>
        %dma_wait3A_112 = tpu.memref_squeeze %dma_wait3A_111 : memref<1x80x128xf32, #tpu.memory_space<vmem>> -> memref<80x128xf32, #tpu.memory_space<vmem>>
        %dma_wait3A_113 = arith.constant 0 : i32
        %dma_wait3A_114 = tpu.memref_slice %arg4[%mul3A_108, %dma_wait3A_113] : memref<100000x128xf32, #tpu.memory_space<hbm>> -> memref<80x128xf32, #tpu.memory_space<hbm>>
        %dma_wait3A_115 = arith.constant 0 : i32
        %dma_wait3A_116 = tpu.memref_slice %arg4[%mul3A_108, %dma_wait3A_115] : memref<100000x128xf32, #tpu.memory_space<hbm>> -> memref<80x128xf32, #tpu.memory_space<hbm>>
        %dma_wait3A_117 = arith.constant 0 : i32
        %dma_wait3A_118 = arith.constant 0 : i32
        %dma_wait3A_119 = tpu.memref_slice %arg6[%dma_wait3A, %dma_wait3A_117, %dma_wait3A_118] : memref<2x80x128xf32, #tpu.memory_space<vmem>> -> memref<1x80x128xf32, #tpu.memory_space<vmem>>
        %dma_wait3A_120 = tpu.memref_squeeze %dma_wait3A_119 : memref<1x80x128xf32, #tpu.memory_space<vmem>> -> memref<80x128xf32, #tpu.memory_space<vmem>>
        tpu.wait_dma2 semaphore(%arg10 : memref<!tpu.dma_semaphore, #tpu.memory_space<semaphore_mem>>) src(%dma_wait3A_120 : memref<80x128xf32, #tpu.memory_space<vmem>>) dst(%dma_wait3A_116 : memref<80x128xf32, #tpu.memory_space<hbm>>)
      } else {
      }
      %mul3A_86 = arith.constant 32 : i32
      %mul3A_87 = arith.muli %add3A_72, %mul3A_86 : i32
      %add3A_88 = arith.addi %mul3A_87, %add3A : i32
      %lt3A_89 = arith.constant 1250 : i32
      %lt3A_90 = arith.cmpi slt, %add3A_88, %lt3A_89 : i32
      %convert_element_type3A_91 = arith.extui %lt3A_90 : i1 to i32
      %cond3A_92 = arith.constant 0 : i32
      %cond3A_93 = arith.cmpi ne, %convert_element_type3A_91, %cond3A_92 : i32
      scf.if %cond3A_93 {
        %scan3A_107 = arith.constant 0 : i32
        %scan3A_108 = arith.constant 80 : i32
        %scan3A_109 = arith.addi %scan3A_107, %scan3A_108 : i32
        %scan3A_110 = arith.constant 1 : i32
        scf.for %scan3A_228 = %scan3A_107 to %scan3A_109 step %scan3A_110  : i32 {
          %mul3A_229 = arith.constant 1 : i32
          %mul3A_230 = arith.muli %scan3A_228, %mul3A_229 : i32
          %add3A_231 = arith.constant 0 : i32
          %add3A_232 = arith.addi %add3A_231, %mul3A_230 : i32
          %swap3A = arith.constant 1 : i32
          %swap3A_233 = arith.index_cast %swap3A : i32 to index
          %swap3A_234 = arith.index_cast %add3A_232 : i32 to index
          %swap3A_235 = arith.constant 0 : index
          %swap3A_236 = tpu.vector_load %arg6[%swap3A_233, %swap3A_234, %swap3A_235] {strides = array<i32>} : memref<2x80x128xf32, #tpu.memory_space<vmem>>, vector<1x1x16xf32>,
          %swap3A_237 = vector.shape_cast %swap3A_236 : vector<1x1x16xf32> to vector<16xf32>
          %swap3A_238 = vector.shape_cast %broadcast_in_dim3A_1 : vector<16xf32> to vector<1x1x16xf32>
          tpu.vector_store %arg6[%swap3A_233, %swap3A_234, %swap3A_235], %swap3A_238 {strides = array<i32>} : memref<2x80x128xf32, #tpu.memory_space<vmem>>, vector<1x1x16xf32>,
          %swap3A_239 = arith.constant 1 : i32
          %swap3A_240 = arith.index_cast %swap3A_239 : i32 to index
          %swap3A_241 = arith.index_cast %add3A_232 : i32 to index
          %swap3A_242 = arith.constant 16 : index
          %swap3A_243 = tpu.vector_load %arg6[%swap3A_240, %swap3A_241, %swap3A_242] {strides = array<i32>} : memref<2x80x128xf32, #tpu.memory_space<vmem>>, vector<1x1x16xf32>,
          %swap3A_244 = vector.shape_cast %swap3A_243 : vector<1x1x16xf32> to vector<16xf32>
          %swap3A_245 = vector.shape_cast %broadcast_in_dim3A_1 : vector<16xf32> to vector<1x1x16xf32>
          tpu.vector_store %arg6[%swap3A_240, %swap3A_241, %swap3A_242], %swap3A_245 {strides = array<i32>} : memref<2x80x128xf32, #tpu.memory_space<vmem>>, vector<1x1x16xf32>,
          %swap3A_246 = arith.constant 1 : i32
          %swap3A_247 = arith.index_cast %swap3A_246 : i32 to index
          %swap3A_248 = arith.index_cast %add3A_232 : i32 to index
          %swap3A_249 = arith.constant 32 : index
          %swap3A_250 = tpu.vector_load %arg6[%swap3A_247, %swap3A_248, %swap3A_249] {strides = array<i32>} : memref<2x80x128xf32, #tpu.memory_space<vmem>>, vector<1x1x16xf32>,
          %swap3A_251 = vector.shape_cast %swap3A_250 : vector<1x1x16xf32> to vector<16xf32>
          %swap3A_252 = vector.shape_cast %broadcast_in_dim3A_1 : vector<16xf32> to vector<1x1x16xf32>
          tpu.vector_store %arg6[%swap3A_247, %swap3A_248, %swap3A_249], %swap3A_252 {strides = array<i32>} : memref<2x80x128xf32, #tpu.memory_space<vmem>>, vector<1x1x16xf32>,
          %swap3A_253 = arith.constant 1 : i32
          %swap3A_254 = arith.index_cast %swap3A_253 : i32 to index
          %swap3A_255 = arith.index_cast %add3A_232 : i32 to index
          %swap3A_256 = arith.constant 48 : index
          %swap3A_257 = tpu.vector_load %arg6[%swap3A_254, %swap3A_255, %swap3A_256] {strides = array<i32>} : memref<2x80x128xf32, #tpu.memory_space<vmem>>, vector<1x1x16xf32>,
          %swap3A_258 = vector.shape_cast %swap3A_257 : vector<1x1x16xf32> to vector<16xf32>
          %swap3A_259 = vector.shape_cast %broadcast_in_dim3A_1 : vector<16xf32> to vector<1x1x16xf32>
          tpu.vector_store %arg6[%swap3A_254, %swap3A_255, %swap3A_256], %swap3A_259 {strides = array<i32>} : memref<2x80x128xf32, #tpu.memory_space<vmem>>, vector<1x1x16xf32>,
          %swap3A_260 = arith.constant 1 : i32
          %swap3A_261 = arith.index_cast %swap3A_260 : i32 to index
          %swap3A_262 = arith.index_cast %add3A_232 : i32 to index
          %swap3A_263 = arith.constant 64 : index
          %swap3A_264 = tpu.vector_load %arg6[%swap3A_261, %swap3A_262, %swap3A_263] {strides = array<i32>} : memref<2x80x128xf32, #tpu.memory_space<vmem>>, vector<1x1x16xf32>,
          %swap3A_265 = vector.shape_cast %swap3A_264 : vector<1x1x16xf32> to vector<16xf32>
          %swap3A_266 = vector.shape_cast %broadcast_in_dim3A_1 : vector<16xf32> to vector<1x1x16xf32>
          tpu.vector_store %arg6[%swap3A_261, %swap3A_262, %swap3A_263], %swap3A_266 {strides = array<i32>} : memref<2x80x128xf32, #tpu.memory_space<vmem>>, vector<1x1x16xf32>,
          %swap3A_267 = arith.constant 1 : i32
          %swap3A_268 = arith.index_cast %swap3A_267 : i32 to index
          %swap3A_269 = arith.index_cast %add3A_232 : i32 to index
          %swap3A_270 = arith.constant 80 : index
          %swap3A_271 = tpu.vector_load %arg6[%swap3A_268, %swap3A_269, %swap3A_270] {strides = array<i32>} : memref<2x80x128xf32, #tpu.memory_space<vmem>>, vector<1x1x16xf32>,
          %swap3A_272 = vector.shape_cast %swap3A_271 : vector<1x1x16xf32> to vector<16xf32>
          %swap3A_273 = vector.shape_cast %broadcast_in_dim3A_1 : vector<16xf32> to vector<1x1x16xf32>
          tpu.vector_store %arg6[%swap3A_268, %swap3A_269, %swap3A_270], %swap3A_273 {strides = array<i32>} : memref<2x80x128xf32, #tpu.memory_space<vmem>>, vector<1x1x16xf32>,
          %swap3A_274 = arith.constant 1 : i32
          %swap3A_275 = arith.index_cast %swap3A_274 : i32 to index
          %swap3A_276 = arith.index_cast %add3A_232 : i32 to index
          %swap3A_277 = arith.constant 96 : index
          %swap3A_278 = tpu.vector_load %arg6[%swap3A_275, %swap3A_276, %swap3A_277] {strides = array<i32>} : memref<2x80x128xf32, #tpu.memory_space<vmem>>, vector<1x1x16xf32>,
          %swap3A_279 = vector.shape_cast %swap3A_278 : vector<1x1x16xf32> to vector<16xf32>
          %swap3A_280 = vector.shape_cast %broadcast_in_dim3A_1 : vector<16xf32> to vector<1x1x16xf32>
          tpu.vector_store %arg6[%swap3A_275, %swap3A_276, %swap3A_277], %swap3A_280 {strides = array<i32>} : memref<2x80x128xf32, #tpu.memory_space<vmem>>, vector<1x1x16xf32>,
          %swap3A_281 = arith.constant 1 : i32
          %swap3A_282 = arith.index_cast %swap3A_281 : i32 to index
          %swap3A_283 = arith.index_cast %add3A_232 : i32 to index
          %swap3A_284 = arith.constant 112 : index
          %swap3A_285 = tpu.vector_load %arg6[%swap3A_282, %swap3A_283, %swap3A_284] {strides = array<i32>} : memref<2x80x128xf32, #tpu.memory_space<vmem>>, vector<1x1x16xf32>,
          %swap3A_286 = vector.shape_cast %swap3A_285 : vector<1x1x16xf32> to vector<16xf32>
          %swap3A_287 = vector.shape_cast %broadcast_in_dim3A_1 : vector<16xf32> to vector<1x1x16xf32>
          tpu.vector_store %arg6[%swap3A_282, %swap3A_283, %swap3A_284], %swap3A_287 {strides = array<i32>} : memref<2x80x128xf32, #tpu.memory_space<vmem>>, vector<1x1x16xf32>,
        }
        %scan3A_111 = arith.constant 80 : i32
        %run_scoped3A = arith.constant 1 : i32
        "tpu.region"() ({
          %run_scoped3A_228 = tpu.sem_alloc : memref<!tpu.dma_semaphore, #tpu.memory_space<semaphore_mem>>
          %dma_start3A_229 = arith.constant 0 : i32
          %dma_start3A_230 = arith.constant 0 : i32
          %dma_start3A_231 = tpu.memref_slice %arg5[%run_scoped3A, %dma_start3A_229, %dma_start3A_230] : memref<2x9x80xi32, #tpu.memory_space<vmem>> -> memref<1x9x80xi32, #tpu.memory_space<vmem>>
          %dma_start3A_232 = tpu.memref_squeeze %dma_start3A_231 : memref<1x9x80xi32, #tpu.memory_space<vmem>> -> memref<9x80xi32, #tpu.memory_space<vmem>>
          %dma_start3A_233 = arith.constant 0 : i32
          %dma_start3A_234 = arith.constant 0 : i32
          %dma_start3A_235 = tpu.memref_slice %arg2[%add3A_88, %dma_start3A_233, %dma_start3A_234] : memref<1250x9x80xi32, #tpu.memory_space<hbm>> -> memref<1x9x80xi32, #tpu.memory_space<hbm>>
          %dma_start3A_236 = tpu.memref_squeeze %dma_start3A_235 : memref<1x9x80xi32, #tpu.memory_space<hbm>> -> memref<9x80xi32, #tpu.memory_space<hbm>>
          %dma_start3A_237 = arith.constant 0 : i32
          %dma_start3A_238 = arith.constant 0 : i32
          %dma_start3A_239 = tpu.memref_slice %arg5[%run_scoped3A, %dma_start3A_237, %dma_start3A_238] : memref<2x9x80xi32, #tpu.memory_space<vmem>> -> memref<1x9x80xi32, #tpu.memory_space<vmem>>
          %dma_start3A_240 = tpu.memref_squeeze %dma_start3A_239 : memref<1x9x80xi32, #tpu.memory_space<vmem>> -> memref<9x80xi32, #tpu.memory_space<vmem>>
          %dma_start3A_241 = arith.constant 0 : i32
          %dma_start3A_242 = arith.constant 0 : i32
          %dma_start3A_243 = tpu.memref_slice %arg2[%add3A_88, %dma_start3A_241, %dma_start3A_242] : memref<1250x9x80xi32, #tpu.memory_space<hbm>> -> memref<1x9x80xi32, #tpu.memory_space<hbm>>
          %dma_start3A_244 = tpu.memref_squeeze %dma_start3A_243 : memref<1x9x80xi32, #tpu.memory_space<hbm>> -> memref<9x80xi32, #tpu.memory_space<hbm>>
          tpu.enqueue_dma source(%dma_start3A_244 : memref<9x80xi32, #tpu.memory_space<hbm>>) target(%dma_start3A_240 : memref<9x80xi32, #tpu.memory_space<vmem>>) target_semaphore(%run_scoped3A_228 : memref<!tpu.dma_semaphore, #tpu.memory_space<semaphore_mem>>)
          %dma_wait3A = arith.constant 0 : i32
          %dma_wait3A_245 = arith.constant 0 : i32
          %dma_wait3A_246 = tpu.memref_slice %arg5[%run_scoped3A, %dma_wait3A, %dma_wait3A_245] : memref<2x9x80xi32, #tpu.memory_space<vmem>> -> memref<1x9x80xi32, #tpu.memory_space<vmem>>
          %dma_wait3A_247 = tpu.memref_squeeze %dma_wait3A_246 : memref<1x9x80xi32, #tpu.memory_space<vmem>> -> memref<9x80xi32, #tpu.memory_space<vmem>>
          %dma_wait3A_248 = arith.constant 0 : i32
          %dma_wait3A_249 = arith.constant 0 : i32
          %dma_wait3A_250 = tpu.memref_slice %arg2[%add3A_88, %dma_wait3A_248, %dma_wait3A_249] : memref<1250x9x80xi32, #tpu.memory_space<hbm>> -> memref<1x9x80xi32, #tpu.memory_space<hbm>>
          %dma_wait3A_251 = tpu.memref_squeeze %dma_wait3A_250 : memref<1x9x80xi32, #tpu.memory_space<hbm>> -> memref<9x80xi32, #tpu.memory_space<hbm>>
          %dma_wait3A_252 = arith.constant 0 : i32
          %dma_wait3A_253 = arith.constant 0 : i32
          %dma_wait3A_254 = tpu.memref_slice %arg5[%run_scoped3A, %dma_wait3A_252, %dma_wait3A_253] : memref<2x9x80xi32, #tpu.memory_space<vmem>> -> memref<1x9x80xi32, #tpu.memory_space<vmem>>
          %dma_wait3A_255 = tpu.memref_squeeze %dma_wait3A_254 : memref<1x9x80xi32, #tpu.memory_space<vmem>> -> memref<9x80xi32, #tpu.memory_space<vmem>>
          %dma_wait3A_256 = arith.constant 0 : i32
          %dma_wait3A_257 = arith.constant 0 : i32
          %dma_wait3A_258 = tpu.memref_slice %arg2[%add3A_88, %dma_wait3A_256, %dma_wait3A_257] : memref<1250x9x80xi32, #tpu.memory_space<hbm>> -> memref<1x9x80xi32, #tpu.memory_space<hbm>>
          %dma_wait3A_259 = tpu.memref_squeeze %dma_wait3A_258 : memref<1x9x80xi32, #tpu.memory_space<hbm>> -> memref<9x80xi32, #tpu.memory_space<hbm>>
          tpu.wait_dma2 semaphore(%run_scoped3A_228 : memref<!tpu.dma_semaphore, #tpu.memory_space<semaphore_mem>>) src(%dma_wait3A_259 : memref<9x80xi32, #tpu.memory_space<hbm>>) dst(%dma_wait3A_255 : memref<9x80xi32, #tpu.memory_space<vmem>>)
          tpu.yield
        }) : () -> ()
        %dma_start3A = arith.constant 1 : i32
        %dma_start3A_112 = arith.constant 0 : i32
        %dma_start3A_113 = arith.constant 1 : i32
        %dma_start3A_114 = arith.constant 0 : i32
        %dma_start3A_115 = arith.constant 0 : i32
        %dma_start3A_116 = tpu.memref_slice %arg6[%dma_start3A_113, %dma_start3A_114, %dma_start3A_115] : memref<2x80x128xf32, #tpu.memory_space<vmem>> -> memref<1x80x128xf32, #tpu.memory_space<vmem>>
        %dma_start3A_117 = tpu.memref_squeeze %dma_start3A_116 : memref<1x80x128xf32, #tpu.memory_space<vmem>> -> memref<80x128xf32, #tpu.memory_space<vmem>>
        %dma_start3A_118 = arith.constant 0 : i32
        %dma_start3A_119 = tpu.memref_slice %arg5[%dma_start3A, %dma_start3A_112, %dma_start3A_118] : memref<2x9x80xi32, #tpu.memory_space<vmem>> -> memref<1x1x80xi32, #tpu.memory_space<vmem>>
        %dma_start3A_120 = tpu.memref_squeeze %dma_start3A_119 : memref<1x1x80xi32, #tpu.memory_space<vmem>> -> memref<80xi32, #tpu.memory_space<vmem>>
        %dma_start3A_121 = arith.constant 0 : i32
        %dma_start3A_122 = arith.constant 0 : i32
        %dma_start3A_123 = tpu.memref_slice %arg3[%dma_start3A_121, %dma_start3A_122] : memref<1071x128xf32, #tpu.memory_space<hbm>> -> memref<1071x128xf32, #tpu.memory_space<hbm>>
        tpu.enqueue_indirect_dma source(%dma_start3A_123 : memref<1071x128xf32, #tpu.memory_space<hbm>>) target(%dma_start3A_117 : memref<80x128xf32, #tpu.memory_space<vmem>>) offsets(%dma_start3A_120 : memref<80xi32, #tpu.memory_space<vmem>>) semaphore(%arg8 : memref<!tpu.dma_semaphore, #tpu.memory_space<semaphore_mem>>) {add = true}
        %dma_start3A_124 = arith.constant 1 : i32
        %dma_start3A_125 = arith.constant 1 : i32
        %dma_start3A_126 = arith.constant 1 : i32
        %dma_start3A_127 = arith.constant 0 : i32
        %dma_start3A_128 = arith.constant 0 : i32
        %dma_start3A_129 = tpu.memref_slice %arg6[%dma_start3A_126, %dma_start3A_127, %dma_start3A_128] : memref<2x80x128xf32, #tpu.memory_space<vmem>> -> memref<1x80x128xf32, #tpu.memory_space<vmem>>
        %dma_start3A_130 = tpu.memref_squeeze %dma_start3A_129 : memref<1x80x128xf32, #tpu.memory_space<vmem>> -> memref<80x128xf32, #tpu.memory_space<vmem>>
        %dma_start3A_131 = arith.constant 0 : i32
        %dma_start3A_132 = tpu.memref_slice %arg5[%dma_start3A_124, %dma_start3A_125, %dma_start3A_131] : memref<2x9x80xi32, #tpu.memory_space<vmem>> -> memref<1x1x80xi32, #tpu.memory_space<vmem>>
        %dma_start3A_133 = tpu.memref_squeeze %dma_start3A_132 : memref<1x1x80xi32, #tpu.memory_space<vmem>> -> memref<80xi32, #tpu.memory_space<vmem>>
        %dma_start3A_134 = arith.constant 0 : i32
        %dma_start3A_135 = arith.constant 0 : i32
        %dma_start3A_136 = tpu.memref_slice %arg3[%dma_start3A_134, %dma_start3A_135] : memref<1071x128xf32, #tpu.memory_space<hbm>> -> memref<1071x128xf32, #tpu.memory_space<hbm>>
        tpu.enqueue_indirect_dma source(%dma_start3A_136 : memref<1071x128xf32, #tpu.memory_space<hbm>>) target(%dma_start3A_130 : memref<80x128xf32, #tpu.memory_space<vmem>>) offsets(%dma_start3A_133 : memref<80xi32, #tpu.memory_space<vmem>>) semaphore(%arg8 : memref<!tpu.dma_semaphore, #tpu.memory_space<semaphore_mem>>) {add = true}
        %dma_start3A_137 = arith.constant 1 : i32
        %dma_start3A_138 = arith.constant 2 : i32
        %dma_start3A_139 = arith.constant 1 : i32
        %dma_start3A_140 = arith.constant 0 : i32
        %dma_start3A_141 = arith.constant 0 : i32
        %dma_start3A_142 = tpu.memref_slice %arg6[%dma_start3A_139, %dma_start3A_140, %dma_start3A_141] : memref<2x80x128xf32, #tpu.memory_space<vmem>> -> memref<1x80x128xf32, #tpu.memory_space<vmem>>
        %dma_start3A_143 = tpu.memref_squeeze %dma_start3A_142 : memref<1x80x128xf32, #tpu.memory_space<vmem>> -> memref<80x128xf32, #tpu.memory_space<vmem>>
        %dma_start3A_144 = arith.constant 0 : i32
        %dma_start3A_145 = tpu.memref_slice %arg5[%dma_start3A_137, %dma_start3A_138, %dma_start3A_144] : memref<2x9x80xi32, #tpu.memory_space<vmem>> -> memref<1x1x80xi32, #tpu.memory_space<vmem>>
        %dma_start3A_146 = tpu.memref_squeeze %dma_start3A_145 : memref<1x1x80xi32, #tpu.memory_space<vmem>> -> memref<80xi32, #tpu.memory_space<vmem>>
        %dma_start3A_147 = arith.constant 0 : i32
        %dma_start3A_148 = arith.constant 0 : i32
        %dma_start3A_149 = tpu.memref_slice %arg3[%dma_start3A_147, %dma_start3A_148] : memref<1071x128xf32, #tpu.memory_space<hbm>> -> memref<1071x128xf32, #tpu.memory_space<hbm>>
        tpu.enqueue_indirect_dma source(%dma_start3A_149 : memref<1071x128xf32, #tpu.memory_space<hbm>>) target(%dma_start3A_143 : memref<80x128xf32, #tpu.memory_space<vmem>>) offsets(%dma_start3A_146 : memref<80xi32, #tpu.memory_space<vmem>>) semaphore(%arg8 : memref<!tpu.dma_semaphore, #tpu.memory_space<semaphore_mem>>) {add = true}
        %dma_start3A_150 = arith.constant 1 : i32
        %dma_start3A_151 = arith.constant 3 : i32
        %dma_start3A_152 = arith.constant 1 : i32
        %dma_start3A_153 = arith.constant 0 : i32
        %dma_start3A_154 = arith.constant 0 : i32
        %dma_start3A_155 = tpu.memref_slice %arg6[%dma_start3A_152, %dma_start3A_153, %dma_start3A_154] : memref<2x80x128xf32, #tpu.memory_space<vmem>> -> memref<1x80x128xf32, #tpu.memory_space<vmem>>
        %dma_start3A_156 = tpu.memref_squeeze %dma_start3A_155 : memref<1x80x128xf32, #tpu.memory_space<vmem>> -> memref<80x128xf32, #tpu.memory_space<vmem>>
        %dma_start3A_157 = arith.constant 0 : i32
        %dma_start3A_158 = tpu.memref_slice %arg5[%dma_start3A_150, %dma_start3A_151, %dma_start3A_157] : memref<2x9x80xi32, #tpu.memory_space<vmem>> -> memref<1x1x80xi32, #tpu.memory_space<vmem>>
        %dma_start3A_159 = tpu.memref_squeeze %dma_start3A_158 : memref<1x1x80xi32, #tpu.memory_space<vmem>> -> memref<80xi32, #tpu.memory_space<vmem>>
        %dma_start3A_160 = arith.constant 0 : i32
        %dma_start3A_161 = arith.constant 0 : i32
        %dma_start3A_162 = tpu.memref_slice %arg3[%dma_start3A_160, %dma_start3A_161] : memref<1071x128xf32, #tpu.memory_space<hbm>> -> memref<1071x128xf32, #tpu.memory_space<hbm>>
        tpu.enqueue_indirect_dma source(%dma_start3A_162 : memref<1071x128xf32, #tpu.memory_space<hbm>>) target(%dma_start3A_156 : memref<80x128xf32, #tpu.memory_space<vmem>>) offsets(%dma_start3A_159 : memref<80xi32, #tpu.memory_space<vmem>>) semaphore(%arg8 : memref<!tpu.dma_semaphore, #tpu.memory_space<semaphore_mem>>) {add = true}
        %dma_start3A_163 = arith.constant 1 : i32
        %dma_start3A_164 = arith.constant 4 : i32
        %dma_start3A_165 = arith.constant 1 : i32
        %dma_start3A_166 = arith.constant 0 : i32
        %dma_start3A_167 = arith.constant 0 : i32
        %dma_start3A_168 = tpu.memref_slice %arg6[%dma_start3A_165, %dma_start3A_166, %dma_start3A_167] : memref<2x80x128xf32, #tpu.memory_space<vmem>> -> memref<1x80x128xf32, #tpu.memory_space<vmem>>
        %dma_start3A_169 = tpu.memref_squeeze %dma_start3A_168 : memref<1x80x128xf32, #tpu.memory_space<vmem>> -> memref<80x128xf32, #tpu.memory_space<vmem>>
        %dma_start3A_170 = arith.constant 0 : i32
        %dma_start3A_171 = tpu.memref_slice %arg5[%dma_start3A_163, %dma_start3A_164, %dma_start3A_170] : memref<2x9x80xi32, #tpu.memory_space<vmem>> -> memref<1x1x80xi32, #tpu.memory_space<vmem>>
        %dma_start3A_172 = tpu.memref_squeeze %dma_start3A_171 : memref<1x1x80xi32, #tpu.memory_space<vmem>> -> memref<80xi32, #tpu.memory_space<vmem>>
        %dma_start3A_173 = arith.constant 0 : i32
        %dma_start3A_174 = arith.constant 0 : i32
        %dma_start3A_175 = tpu.memref_slice %arg3[%dma_start3A_173, %dma_start3A_174] : memref<1071x128xf32, #tpu.memory_space<hbm>> -> memref<1071x128xf32, #tpu.memory_space<hbm>>
        tpu.enqueue_indirect_dma source(%dma_start3A_175 : memref<1071x128xf32, #tpu.memory_space<hbm>>) target(%dma_start3A_169 : memref<80x128xf32, #tpu.memory_space<vmem>>) offsets(%dma_start3A_172 : memref<80xi32, #tpu.memory_space<vmem>>) semaphore(%arg8 : memref<!tpu.dma_semaphore, #tpu.memory_space<semaphore_mem>>) {add = true}
        %dma_start3A_176 = arith.constant 1 : i32
        %dma_start3A_177 = arith.constant 5 : i32
        %dma_start3A_178 = arith.constant 1 : i32
        %dma_start3A_179 = arith.constant 0 : i32
        %dma_start3A_180 = arith.constant 0 : i32
        %dma_start3A_181 = tpu.memref_slice %arg6[%dma_start3A_178, %dma_start3A_179, %dma_start3A_180] : memref<2x80x128xf32, #tpu.memory_space<vmem>> -> memref<1x80x128xf32, #tpu.memory_space<vmem>>
        %dma_start3A_182 = tpu.memref_squeeze %dma_start3A_181 : memref<1x80x128xf32, #tpu.memory_space<vmem>> -> memref<80x128xf32, #tpu.memory_space<vmem>>
        %dma_start3A_183 = arith.constant 0 : i32
        %dma_start3A_184 = tpu.memref_slice %arg5[%dma_start3A_176, %dma_start3A_177, %dma_start3A_183] : memref<2x9x80xi32, #tpu.memory_space<vmem>> -> memref<1x1x80xi32, #tpu.memory_space<vmem>>
        %dma_start3A_185 = tpu.memref_squeeze %dma_start3A_184 : memref<1x1x80xi32, #tpu.memory_space<vmem>> -> memref<80xi32, #tpu.memory_space<vmem>>
        %dma_start3A_186 = arith.constant 0 : i32
        %dma_start3A_187 = arith.constant 0 : i32
        %dma_start3A_188 = tpu.memref_slice %arg3[%dma_start3A_186, %dma_start3A_187] : memref<1071x128xf32, #tpu.memory_space<hbm>> -> memref<1071x128xf32, #tpu.memory_space<hbm>>
        tpu.enqueue_indirect_dma source(%dma_start3A_188 : memref<1071x128xf32, #tpu.memory_space<hbm>>) target(%dma_start3A_182 : memref<80x128xf32, #tpu.memory_space<vmem>>) offsets(%dma_start3A_185 : memref<80xi32, #tpu.memory_space<vmem>>) semaphore(%arg8 : memref<!tpu.dma_semaphore, #tpu.memory_space<semaphore_mem>>) {add = true}
        %dma_start3A_189 = arith.constant 1 : i32
        %dma_start3A_190 = arith.constant 6 : i32
        %dma_start3A_191 = arith.constant 1 : i32
        %dma_start3A_192 = arith.constant 0 : i32
        %dma_start3A_193 = arith.constant 0 : i32
        %dma_start3A_194 = tpu.memref_slice %arg6[%dma_start3A_191, %dma_start3A_192, %dma_start3A_193] : memref<2x80x128xf32, #tpu.memory_space<vmem>> -> memref<1x80x128xf32, #tpu.memory_space<vmem>>
        %dma_start3A_195 = tpu.memref_squeeze %dma_start3A_194 : memref<1x80x128xf32, #tpu.memory_space<vmem>> -> memref<80x128xf32, #tpu.memory_space<vmem>>
        %dma_start3A_196 = arith.constant 0 : i32
        %dma_start3A_197 = tpu.memref_slice %arg5[%dma_start3A_189, %dma_start3A_190, %dma_start3A_196] : memref<2x9x80xi32, #tpu.memory_space<vmem>> -> memref<1x1x80xi32, #tpu.memory_space<vmem>>
        %dma_start3A_198 = tpu.memref_squeeze %dma_start3A_197 : memref<1x1x80xi32, #tpu.memory_space<vmem>> -> memref<80xi32, #tpu.memory_space<vmem>>
        %dma_start3A_199 = arith.constant 0 : i32
        %dma_start3A_200 = arith.constant 0 : i32
        %dma_start3A_201 = tpu.memref_slice %arg3[%dma_start3A_199, %dma_start3A_200] : memref<1071x128xf32, #tpu.memory_space<hbm>> -> memref<1071x128xf32, #tpu.memory_space<hbm>>
        tpu.enqueue_indirect_dma source(%dma_start3A_201 : memref<1071x128xf32, #tpu.memory_space<hbm>>) target(%dma_start3A_195 : memref<80x128xf32, #tpu.memory_space<vmem>>) offsets(%dma_start3A_198 : memref<80xi32, #tpu.memory_space<vmem>>) semaphore(%arg8 : memref<!tpu.dma_semaphore, #tpu.memory_space<semaphore_mem>>) {add = true}
        %dma_start3A_202 = arith.constant 1 : i32
        %dma_start3A_203 = arith.constant 7 : i32
        %dma_start3A_204 = arith.constant 1 : i32
        %dma_start3A_205 = arith.constant 0 : i32
        %dma_start3A_206 = arith.constant 0 : i32
        %dma_start3A_207 = tpu.memref_slice %arg6[%dma_start3A_204, %dma_start3A_205, %dma_start3A_206] : memref<2x80x128xf32, #tpu.memory_space<vmem>> -> memref<1x80x128xf32, #tpu.memory_space<vmem>>
        %dma_start3A_208 = tpu.memref_squeeze %dma_start3A_207 : memref<1x80x128xf32, #tpu.memory_space<vmem>> -> memref<80x128xf32, #tpu.memory_space<vmem>>
        %dma_start3A_209 = arith.constant 0 : i32
        %dma_start3A_210 = tpu.memref_slice %arg5[%dma_start3A_202, %dma_start3A_203, %dma_start3A_209] : memref<2x9x80xi32, #tpu.memory_space<vmem>> -> memref<1x1x80xi32, #tpu.memory_space<vmem>>
        %dma_start3A_211 = tpu.memref_squeeze %dma_start3A_210 : memref<1x1x80xi32, #tpu.memory_space<vmem>> -> memref<80xi32, #tpu.memory_space<vmem>>
        %dma_start3A_212 = arith.constant 0 : i32
        %dma_start3A_213 = arith.constant 0 : i32
        %dma_start3A_214 = tpu.memref_slice %arg3[%dma_start3A_212, %dma_start3A_213] : memref<1071x128xf32, #tpu.memory_space<hbm>> -> memref<1071x128xf32, #tpu.memory_space<hbm>>
        tpu.enqueue_indirect_dma source(%dma_start3A_214 : memref<1071x128xf32, #tpu.memory_space<hbm>>) target(%dma_start3A_208 : memref<80x128xf32, #tpu.memory_space<vmem>>) offsets(%dma_start3A_211 : memref<80xi32, #tpu.memory_space<vmem>>) semaphore(%arg8 : memref<!tpu.dma_semaphore, #tpu.memory_space<semaphore_mem>>) {add = true}
        %dma_start3A_215 = arith.constant 1 : i32
        %dma_start3A_216 = arith.constant 8 : i32
        %dma_start3A_217 = arith.constant 1 : i32
        %dma_start3A_218 = arith.constant 0 : i32
        %dma_start3A_219 = arith.constant 0 : i32
        %dma_start3A_220 = tpu.memref_slice %arg6[%dma_start3A_217, %dma_start3A_218, %dma_start3A_219] : memref<2x80x128xf32, #tpu.memory_space<vmem>> -> memref<1x80x128xf32, #tpu.memory_space<vmem>>
        %dma_start3A_221 = tpu.memref_squeeze %dma_start3A_220 : memref<1x80x128xf32, #tpu.memory_space<vmem>> -> memref<80x128xf32, #tpu.memory_space<vmem>>
        %dma_start3A_222 = arith.constant 0 : i32
        %dma_start3A_223 = tpu.memref_slice %arg5[%dma_start3A_215, %dma_start3A_216, %dma_start3A_222] : memref<2x9x80xi32, #tpu.memory_space<vmem>> -> memref<1x1x80xi32, #tpu.memory_space<vmem>>
        %dma_start3A_224 = tpu.memref_squeeze %dma_start3A_223 : memref<1x1x80xi32, #tpu.memory_space<vmem>> -> memref<80xi32, #tpu.memory_space<vmem>>
        %dma_start3A_225 = arith.constant 0 : i32
        %dma_start3A_226 = arith.constant 0 : i32
        %dma_start3A_227 = tpu.memref_slice %arg3[%dma_start3A_225, %dma_start3A_226] : memref<1071x128xf32, #tpu.memory_space<hbm>> -> memref<1071x128xf32, #tpu.memory_space<hbm>>
        tpu.enqueue_indirect_dma source(%dma_start3A_227 : memref<1071x128xf32, #tpu.memory_space<hbm>>) target(%dma_start3A_221 : memref<80x128xf32, #tpu.memory_space<vmem>>) offsets(%dma_start3A_224 : memref<80xi32, #tpu.memory_space<vmem>>) semaphore(%arg8 : memref<!tpu.dma_semaphore, #tpu.memory_space<semaphore_mem>>) {add = true}
      } else {
      }
      %sub3A_94 = arith.constant 1 : i32
      %sub3A_95 = arith.subi %add3A_72, %sub3A_94 : i32
      %mul3A_96 = arith.constant 32 : i32
      %mul3A_97 = arith.muli %sub3A_95, %mul3A_96 : i32
      %add3A_98 = arith.addi %mul3A_97, %add3A : i32
      %ge3A_99 = arith.constant 0 : i32
      %ge3A_100 = arith.cmpi sge, %add3A_98, %ge3A_99 : i32
      %lt3A_101 = arith.constant 1250 : i32
      %lt3A_102 = arith.cmpi slt, %add3A_98, %lt3A_101 : i32
      %and3A_103 = arith.andi %ge3A_100, %lt3A_102 : i1
      %convert_element_type3A_104 = arith.extui %and3A_103 : i1 to i32
      %cond3A_105 = arith.constant 0 : i32
      %cond3A_106 = arith.cmpi ne, %convert_element_type3A_104, %cond3A_105 : i32
      scf.if %cond3A_106 {
        %dma_wait3A = arith.constant 0 : i32
        %dma_wait3A_107 = arith.constant 0 : i32
        %dma_wait3A_108 = arith.constant 0 : i32
        %dma_wait3A_109 = arith.constant 0 : i32
        %dma_wait3A_110 = arith.constant 0 : i32
        %dma_wait3A_111 = tpu.memref_slice %arg6[%dma_wait3A_108, %dma_wait3A_109, %dma_wait3A_110] : memref<2x80x128xf32, #tpu.memory_space<vmem>> -> memref<1x80x128xf32, #tpu.memory_space<vmem>>
        %dma_wait3A_112 = tpu.memref_squeeze %dma_wait3A_111 : memref<1x80x128xf32, #tpu.memory_space<vmem>> -> memref<80x128xf32, #tpu.memory_space<vmem>>
        %dma_wait3A_113 = arith.constant 0 : i32
        %dma_wait3A_114 = tpu.memref_slice %arg5[%dma_wait3A, %dma_wait3A_107, %dma_wait3A_113] : memref<2x9x80xi32, #tpu.memory_space<vmem>> -> memref<1x1x80xi32, #tpu.memory_space<vmem>>
        %dma_wait3A_115 = tpu.memref_squeeze %dma_wait3A_114 : memref<1x1x80xi32, #tpu.memory_space<vmem>> -> memref<80xi32, #tpu.memory_space<vmem>>
        %dma_wait3A_116 = arith.constant 0 : i32
        %dma_wait3A_117 = arith.constant 0 : i32
        %dma_wait3A_118 = tpu.memref_slice %arg3[%dma_wait3A_116, %dma_wait3A_117] : memref<1071x128xf32, #tpu.memory_space<hbm>> -> memref<1071x128xf32, #tpu.memory_space<hbm>>
        tpu.wait_indirect_dma semaphore(%arg7 : memref<!tpu.dma_semaphore, #tpu.memory_space<semaphore_mem>>) src(%dma_wait3A_118 : memref<1071x128xf32, #tpu.memory_space<hbm>>) dst(%dma_wait3A_112 : memref<80x128xf32, #tpu.memory_space<vmem>>)
        %dma_wait3A_119 = arith.constant 0 : i32
        %dma_wait3A_120 = arith.constant 1 : i32
        %dma_wait3A_121 = arith.constant 0 : i32
        %dma_wait3A_122 = arith.constant 0 : i32
        %dma_wait3A_123 = arith.constant 0 : i32
        %dma_wait3A_124 = tpu.memref_slice %arg6[%dma_wait3A_121, %dma_wait3A_122, %dma_wait3A_123] : memref<2x80x128xf32, #tpu.memory_space<vmem>> -> memref<1x80x128xf32, #tpu.memory_space<vmem>>
        %dma_wait3A_125 = tpu.memref_squeeze %dma_wait3A_124 : memref<1x80x128xf32, #tpu.memory_space<vmem>> -> memref<80x128xf32, #tpu.memory_space<vmem>>
        %dma_wait3A_126 = arith.constant 0 : i32
        %dma_wait3A_127 = tpu.memref_slice %arg5[%dma_wait3A_119, %dma_wait3A_120, %dma_wait3A_126] : memref<2x9x80xi32, #tpu.memory_space<vmem>> -> memref<1x1x80xi32, #tpu.memory_space<vmem>>
        %dma_wait3A_128 = tpu.memref_squeeze %dma_wait3A_127 : memref<1x1x80xi32, #tpu.memory_space<vmem>> -> memref<80xi32, #tpu.memory_space<vmem>>
        %dma_wait3A_129 = arith.constant 0 : i32
        %dma_wait3A_130 = arith.constant 0 : i32
        %dma_wait3A_131 = tpu.memref_slice %arg3[%dma_wait3A_129, %dma_wait3A_130] : memref<1071x128xf32, #tpu.memory_space<hbm>> -> memref<1071x128xf32, #tpu.memory_space<hbm>>
        tpu.wait_indirect_dma semaphore(%arg7 : memref<!tpu.dma_semaphore, #tpu.memory_space<semaphore_mem>>) src(%dma_wait3A_131 : memref<1071x128xf32, #tpu.memory_space<hbm>>) dst(%dma_wait3A_125 : memref<80x128xf32, #tpu.memory_space<vmem>>)
        %dma_wait3A_132 = arith.constant 0 : i32
        %dma_wait3A_133 = arith.constant 2 : i32
        %dma_wait3A_134 = arith.constant 0 : i32
        %dma_wait3A_135 = arith.constant 0 : i32
        %dma_wait3A_136 = arith.constant 0 : i32
        %dma_wait3A_137 = tpu.memref_slice %arg6[%dma_wait3A_134, %dma_wait3A_135, %dma_wait3A_136] : memref<2x80x128xf32, #tpu.memory_space<vmem>> -> memref<1x80x128xf32, #tpu.memory_space<vmem>>
        %dma_wait3A_138 = tpu.memref_squeeze %dma_wait3A_137 : memref<1x80x128xf32, #tpu.memory_space<vmem>> -> memref<80x128xf32, #tpu.memory_space<vmem>>
        %dma_wait3A_139 = arith.constant 0 : i32
        %dma_wait3A_140 = tpu.memref_slice %arg5[%dma_wait3A_132, %dma_wait3A_133, %dma_wait3A_139] : memref<2x9x80xi32, #tpu.memory_space<vmem>> -> memref<1x1x80xi32, #tpu.memory_space<vmem>>
        %dma_wait3A_141 = tpu.memref_squeeze %dma_wait3A_140 : memref<1x1x80xi32, #tpu.memory_space<vmem>> -> memref<80xi32, #tpu.memory_space<vmem>>
        %dma_wait3A_142 = arith.constant 0 : i32
        %dma_wait3A_143 = arith.constant 0 : i32
        %dma_wait3A_144 = tpu.memref_slice %arg3[%dma_wait3A_142, %dma_wait3A_143] : memref<1071x128xf32, #tpu.memory_space<hbm>> -> memref<1071x128xf32, #tpu.memory_space<hbm>>
        tpu.wait_indirect_dma semaphore(%arg7 : memref<!tpu.dma_semaphore, #tpu.memory_space<semaphore_mem>>) src(%dma_wait3A_144 : memref<1071x128xf32, #tpu.memory_space<hbm>>) dst(%dma_wait3A_138 : memref<80x128xf32, #tpu.memory_space<vmem>>)
        %dma_wait3A_145 = arith.constant 0 : i32
        %dma_wait3A_146 = arith.constant 3 : i32
        %dma_wait3A_147 = arith.constant 0 : i32
        %dma_wait3A_148 = arith.constant 0 : i32
        %dma_wait3A_149 = arith.constant 0 : i32
        %dma_wait3A_150 = tpu.memref_slice %arg6[%dma_wait3A_147, %dma_wait3A_148, %dma_wait3A_149] : memref<2x80x128xf32, #tpu.memory_space<vmem>> -> memref<1x80x128xf32, #tpu.memory_space<vmem>>
        %dma_wait3A_151 = tpu.memref_squeeze %dma_wait3A_150 : memref<1x80x128xf32, #tpu.memory_space<vmem>> -> memref<80x128xf32, #tpu.memory_space<vmem>>
        %dma_wait3A_152 = arith.constant 0 : i32
        %dma_wait3A_153 = tpu.memref_slice %arg5[%dma_wait3A_145, %dma_wait3A_146, %dma_wait3A_152] : memref<2x9x80xi32, #tpu.memory_space<vmem>> -> memref<1x1x80xi32, #tpu.memory_space<vmem>>
        %dma_wait3A_154 = tpu.memref_squeeze %dma_wait3A_153 : memref<1x1x80xi32, #tpu.memory_space<vmem>> -> memref<80xi32, #tpu.memory_space<vmem>>
        %dma_wait3A_155 = arith.constant 0 : i32
        %dma_wait3A_156 = arith.constant 0 : i32
        %dma_wait3A_157 = tpu.memref_slice %arg3[%dma_wait3A_155, %dma_wait3A_156] : memref<1071x128xf32, #tpu.memory_space<hbm>> -> memref<1071x128xf32, #tpu.memory_space<hbm>>
        tpu.wait_indirect_dma semaphore(%arg7 : memref<!tpu.dma_semaphore, #tpu.memory_space<semaphore_mem>>) src(%dma_wait3A_157 : memref<1071x128xf32, #tpu.memory_space<hbm>>) dst(%dma_wait3A_151 : memref<80x128xf32, #tpu.memory_space<vmem>>)
        %dma_wait3A_158 = arith.constant 0 : i32
        %dma_wait3A_159 = arith.constant 4 : i32
        %dma_wait3A_160 = arith.constant 0 : i32
        %dma_wait3A_161 = arith.constant 0 : i32
        %dma_wait3A_162 = arith.constant 0 : i32
        %dma_wait3A_163 = tpu.memref_slice %arg6[%dma_wait3A_160, %dma_wait3A_161, %dma_wait3A_162] : memref<2x80x128xf32, #tpu.memory_space<vmem>> -> memref<1x80x128xf32, #tpu.memory_space<vmem>>
        %dma_wait3A_164 = tpu.memref_squeeze %dma_wait3A_163 : memref<1x80x128xf32, #tpu.memory_space<vmem>> -> memref<80x128xf32, #tpu.memory_space<vmem>>
        %dma_wait3A_165 = arith.constant 0 : i32
        %dma_wait3A_166 = tpu.memref_slice %arg5[%dma_wait3A_158, %dma_wait3A_159, %dma_wait3A_165] : memref<2x9x80xi32, #tpu.memory_space<vmem>> -> memref<1x1x80xi32, #tpu.memory_space<vmem>>
        %dma_wait3A_167 = tpu.memref_squeeze %dma_wait3A_166 : memref<1x1x80xi32, #tpu.memory_space<vmem>> -> memref<80xi32, #tpu.memory_space<vmem>>
        %dma_wait3A_168 = arith.constant 0 : i32
        %dma_wait3A_169 = arith.constant 0 : i32
        %dma_wait3A_170 = tpu.memref_slice %arg3[%dma_wait3A_168, %dma_wait3A_169] : memref<1071x128xf32, #tpu.memory_space<hbm>> -> memref<1071x128xf32, #tpu.memory_space<hbm>>
        tpu.wait_indirect_dma semaphore(%arg7 : memref<!tpu.dma_semaphore, #tpu.memory_space<semaphore_mem>>) src(%dma_wait3A_170 : memref<1071x128xf32, #tpu.memory_space<hbm>>) dst(%dma_wait3A_164 : memref<80x128xf32, #tpu.memory_space<vmem>>)
        %dma_wait3A_171 = arith.constant 0 : i32
        %dma_wait3A_172 = arith.constant 5 : i32
        %dma_wait3A_173 = arith.constant 0 : i32
        %dma_wait3A_174 = arith.constant 0 : i32
        %dma_wait3A_175 = arith.constant 0 : i32
        %dma_wait3A_176 = tpu.memref_slice %arg6[%dma_wait3A_173, %dma_wait3A_174, %dma_wait3A_175] : memref<2x80x128xf32, #tpu.memory_space<vmem>> -> memref<1x80x128xf32, #tpu.memory_space<vmem>>
        %dma_wait3A_177 = tpu.memref_squeeze %dma_wait3A_176 : memref<1x80x128xf32, #tpu.memory_space<vmem>> -> memref<80x128xf32, #tpu.memory_space<vmem>>
        %dma_wait3A_178 = arith.constant 0 : i32
        %dma_wait3A_179 = tpu.memref_slice %arg5[%dma_wait3A_171, %dma_wait3A_172, %dma_wait3A_178] : memref<2x9x80xi32, #tpu.memory_space<vmem>> -> memref<1x1x80xi32, #tpu.memory_space<vmem>>
        %dma_wait3A_180 = tpu.memref_squeeze %dma_wait3A_179 : memref<1x1x80xi32, #tpu.memory_space<vmem>> -> memref<80xi32, #tpu.memory_space<vmem>>
        %dma_wait3A_181 = arith.constant 0 : i32
        %dma_wait3A_182 = arith.constant 0 : i32
        %dma_wait3A_183 = tpu.memref_slice %arg3[%dma_wait3A_181, %dma_wait3A_182] : memref<1071x128xf32, #tpu.memory_space<hbm>> -> memref<1071x128xf32, #tpu.memory_space<hbm>>
        tpu.wait_indirect_dma semaphore(%arg7 : memref<!tpu.dma_semaphore, #tpu.memory_space<semaphore_mem>>) src(%dma_wait3A_183 : memref<1071x128xf32, #tpu.memory_space<hbm>>) dst(%dma_wait3A_177 : memref<80x128xf32, #tpu.memory_space<vmem>>)
        %dma_wait3A_184 = arith.constant 0 : i32
        %dma_wait3A_185 = arith.constant 6 : i32
        %dma_wait3A_186 = arith.constant 0 : i32
        %dma_wait3A_187 = arith.constant 0 : i32
        %dma_wait3A_188 = arith.constant 0 : i32
        %dma_wait3A_189 = tpu.memref_slice %arg6[%dma_wait3A_186, %dma_wait3A_187, %dma_wait3A_188] : memref<2x80x128xf32, #tpu.memory_space<vmem>> -> memref<1x80x128xf32, #tpu.memory_space<vmem>>
        %dma_wait3A_190 = tpu.memref_squeeze %dma_wait3A_189 : memref<1x80x128xf32, #tpu.memory_space<vmem>> -> memref<80x128xf32, #tpu.memory_space<vmem>>
        %dma_wait3A_191 = arith.constant 0 : i32
        %dma_wait3A_192 = tpu.memref_slice %arg5[%dma_wait3A_184, %dma_wait3A_185, %dma_wait3A_191] : memref<2x9x80xi32, #tpu.memory_space<vmem>> -> memref<1x1x80xi32, #tpu.memory_space<vmem>>
        %dma_wait3A_193 = tpu.memref_squeeze %dma_wait3A_192 : memref<1x1x80xi32, #tpu.memory_space<vmem>> -> memref<80xi32, #tpu.memory_space<vmem>>
        %dma_wait3A_194 = arith.constant 0 : i32
        %dma_wait3A_195 = arith.constant 0 : i32
        %dma_wait3A_196 = tpu.memref_slice %arg3[%dma_wait3A_194, %dma_wait3A_195] : memref<1071x128xf32, #tpu.memory_space<hbm>> -> memref<1071x128xf32, #tpu.memory_space<hbm>>
        tpu.wait_indirect_dma semaphore(%arg7 : memref<!tpu.dma_semaphore, #tpu.memory_space<semaphore_mem>>) src(%dma_wait3A_196 : memref<1071x128xf32, #tpu.memory_space<hbm>>) dst(%dma_wait3A_190 : memref<80x128xf32, #tpu.memory_space<vmem>>)
        %dma_wait3A_197 = arith.constant 0 : i32
        %dma_wait3A_198 = arith.constant 7 : i32
        %dma_wait3A_199 = arith.constant 0 : i32
        %dma_wait3A_200 = arith.constant 0 : i32
        %dma_wait3A_201 = arith.constant 0 : i32
        %dma_wait3A_202 = tpu.memref_slice %arg6[%dma_wait3A_199, %dma_wait3A_200, %dma_wait3A_201] : memref<2x80x128xf32, #tpu.memory_space<vmem>> -> memref<1x80x128xf32, #tpu.memory_space<vmem>>
        %dma_wait3A_203 = tpu.memref_squeeze %dma_wait3A_202 : memref<1x80x128xf32, #tpu.memory_space<vmem>> -> memref<80x128xf32, #tpu.memory_space<vmem>>
        %dma_wait3A_204 = arith.constant 0 : i32
        %dma_wait3A_205 = tpu.memref_slice %arg5[%dma_wait3A_197, %dma_wait3A_198, %dma_wait3A_204] : memref<2x9x80xi32, #tpu.memory_space<vmem>> -> memref<1x1x80xi32, #tpu.memory_space<vmem>>
        %dma_wait3A_206 = tpu.memref_squeeze %dma_wait3A_205 : memref<1x1x80xi32, #tpu.memory_space<vmem>> -> memref<80xi32, #tpu.memory_space<vmem>>
        %dma_wait3A_207 = arith.constant 0 : i32
        %dma_wait3A_208 = arith.constant 0 : i32
        %dma_wait3A_209 = tpu.memref_slice %arg3[%dma_wait3A_207, %dma_wait3A_208] : memref<1071x128xf32, #tpu.memory_space<hbm>> -> memref<1071x128xf32, #tpu.memory_space<hbm>>
        tpu.wait_indirect_dma semaphore(%arg7 : memref<!tpu.dma_semaphore, #tpu.memory_space<semaphore_mem>>) src(%dma_wait3A_209 : memref<1071x128xf32, #tpu.memory_space<hbm>>) dst(%dma_wait3A_203 : memref<80x128xf32, #tpu.memory_space<vmem>>)
        %dma_wait3A_210 = arith.constant 0 : i32
        %dma_wait3A_211 = arith.constant 8 : i32
        %dma_wait3A_212 = arith.constant 0 : i32
        %dma_wait3A_213 = arith.constant 0 : i32
        %dma_wait3A_214 = arith.constant 0 : i32
        %dma_wait3A_215 = tpu.memref_slice %arg6[%dma_wait3A_212, %dma_wait3A_213, %dma_wait3A_214] : memref<2x80x128xf32, #tpu.memory_space<vmem>> -> memref<1x80x128xf32, #tpu.memory_space<vmem>>
        %dma_wait3A_216 = tpu.memref_squeeze %dma_wait3A_215 : memref<1x80x128xf32, #tpu.memory_space<vmem>> -> memref<80x128xf32, #tpu.memory_space<vmem>>
        %dma_wait3A_217 = arith.constant 0 : i32
        %dma_wait3A_218 = tpu.memref_slice %arg5[%dma_wait3A_210, %dma_wait3A_211, %dma_wait3A_217] : memref<2x9x80xi32, #tpu.memory_space<vmem>> -> memref<1x1x80xi32, #tpu.memory_space<vmem>>
        %dma_wait3A_219 = tpu.memref_squeeze %dma_wait3A_218 : memref<1x1x80xi32, #tpu.memory_space<vmem>> -> memref<80xi32, #tpu.memory_space<vmem>>
        %dma_wait3A_220 = arith.constant 0 : i32
        %dma_wait3A_221 = arith.constant 0 : i32
        %dma_wait3A_222 = tpu.memref_slice %arg3[%dma_wait3A_220, %dma_wait3A_221] : memref<1071x128xf32, #tpu.memory_space<hbm>> -> memref<1071x128xf32, #tpu.memory_space<hbm>>
        tpu.wait_indirect_dma semaphore(%arg7 : memref<!tpu.dma_semaphore, #tpu.memory_space<semaphore_mem>>) src(%dma_wait3A_222 : memref<1071x128xf32, #tpu.memory_space<hbm>>) dst(%dma_wait3A_216 : memref<80x128xf32, #tpu.memory_space<vmem>>)
        %mul3A_223 = arith.constant 80 : i32
        %mul3A_224 = arith.muli %add3A_98, %mul3A_223 : i32
        %dma_start3A = arith.constant 0 : i32
        %dma_start3A_225 = arith.constant 0 : i32
        %dma_start3A_226 = arith.constant 0 : i32
        %dma_start3A_227 = tpu.memref_slice %arg6[%dma_start3A, %dma_start3A_225, %dma_start3A_226] : memref<2x80x128xf32, #tpu.memory_space<vmem>> -> memref<1x80x128xf32, #tpu.memory_space<vmem>>
        %dma_start3A_228 = tpu.memref_squeeze %dma_start3A_227 : memref<1x80x128xf32, #tpu.memory_space<vmem>> -> memref<80x128xf32, #tpu.memory_space<vmem>>
        %dma_start3A_229 = arith.constant 0 : i32
        %dma_start3A_230 = tpu.memref_slice %arg4[%mul3A_224, %dma_start3A_229] : memref<100000x128xf32, #tpu.memory_space<hbm>> -> memref<80x128xf32, #tpu.memory_space<hbm>>
        %dma_start3A_231 = arith.constant 0 : i32
        %dma_start3A_232 = tpu.memref_slice %arg4[%mul3A_224, %dma_start3A_231] : memref<100000x128xf32, #tpu.memory_space<hbm>> -> memref<80x128xf32, #tpu.memory_space<hbm>>
        %dma_start3A_233 = arith.constant 0 : i32
        %dma_start3A_234 = arith.constant 0 : i32
        %dma_start3A_235 = tpu.memref_slice %arg6[%dma_start3A, %dma_start3A_233, %dma_start3A_234] : memref<2x80x128xf32, #tpu.memory_space<vmem>> -> memref<1x80x128xf32, #tpu.memory_space<vmem>>
        %dma_start3A_236 = tpu.memref_squeeze %dma_start3A_235 : memref<1x80x128xf32, #tpu.memory_space<vmem>> -> memref<80x128xf32, #tpu.memory_space<vmem>>
        tpu.enqueue_dma source(%dma_start3A_236 : memref<80x128xf32, #tpu.memory_space<vmem>>) target(%dma_start3A_232 : memref<80x128xf32, #tpu.memory_space<hbm>>) target_semaphore(%arg9 : memref<!tpu.dma_semaphore, #tpu.memory_space<semaphore_mem>>)
      } else {
      }
    }
    %scan3A_5 = arith.constant 20 : i32
    %add3A_6 = arith.constant 1248 : i32
    %add3A_7 = arith.addi %add3A_6, %add3A : i32
    %ge3A = arith.constant 0 : i32
    %ge3A_8 = arith.cmpi sge, %add3A_7, %ge3A : i32
    %lt3A = arith.constant 1250 : i32
    %lt3A_9 = arith.cmpi slt, %add3A_7, %lt3A : i32
    %and3A = arith.andi %ge3A_8, %lt3A_9 : i1
    %convert_element_type3A = arith.extui %and3A : i1 to i32
    %cond3A = arith.constant 0 : i32
    %cond3A_10 = arith.cmpi ne, %convert_element_type3A, %cond3A : i32
    scf.if %cond3A_10 {
      %dma_wait3A = arith.constant 1 : i32
      %dma_wait3A_31 = arith.constant 0 : i32
      %dma_wait3A_32 = arith.constant 1 : i32
      %dma_wait3A_33 = arith.constant 0 : i32
      %dma_wait3A_34 = arith.constant 0 : i32
      %dma_wait3A_35 = tpu.memref_slice %arg6[%dma_wait3A_32, %dma_wait3A_33, %dma_wait3A_34] : memref<2x80x128xf32, #tpu.memory_space<vmem>> -> memref<1x80x128xf32, #tpu.memory_space<vmem>>
      %dma_wait3A_36 = tpu.memref_squeeze %dma_wait3A_35 : memref<1x80x128xf32, #tpu.memory_space<vmem>> -> memref<80x128xf32, #tpu.memory_space<vmem>>
      %dma_wait3A_37 = arith.constant 0 : i32
      %dma_wait3A_38 = tpu.memref_slice %arg5[%dma_wait3A, %dma_wait3A_31, %dma_wait3A_37] : memref<2x9x80xi32, #tpu.memory_space<vmem>> -> memref<1x1x80xi32, #tpu.memory_space<vmem>>
      %dma_wait3A_39 = tpu.memref_squeeze %dma_wait3A_38 : memref<1x1x80xi32, #tpu.memory_space<vmem>> -> memref<80xi32, #tpu.memory_space<vmem>>
      %dma_wait3A_40 = arith.constant 0 : i32
      %dma_wait3A_41 = arith.constant 0 : i32
      %dma_wait3A_42 = tpu.memref_slice %arg3[%dma_wait3A_40, %dma_wait3A_41] : memref<1071x128xf32, #tpu.memory_space<hbm>> -> memref<1071x128xf32, #tpu.memory_space<hbm>>
      tpu.wait_indirect_dma semaphore(%arg8 : memref<!tpu.dma_semaphore, #tpu.memory_space<semaphore_mem>>) src(%dma_wait3A_42 : memref<1071x128xf32, #tpu.memory_space<hbm>>) dst(%dma_wait3A_36 : memref<80x128xf32, #tpu.memory_space<vmem>>)
      %dma_wait3A_43 = arith.constant 1 : i32
      %dma_wait3A_44 = arith.constant 1 : i32
      %dma_wait3A_45 = arith.constant 1 : i32
      %dma_wait3A_46 = arith.constant 0 : i32
      %dma_wait3A_47 = arith.constant 0 : i32
      %dma_wait3A_48 = tpu.memref_slice %arg6[%dma_wait3A_45, %dma_wait3A_46, %dma_wait3A_47] : memref<2x80x128xf32, #tpu.memory_space<vmem>> -> memref<1x80x128xf32, #tpu.memory_space<vmem>>
      %dma_wait3A_49 = tpu.memref_squeeze %dma_wait3A_48 : memref<1x80x128xf32, #tpu.memory_space<vmem>> -> memref<80x128xf32, #tpu.memory_space<vmem>>
      %dma_wait3A_50 = arith.constant 0 : i32
      %dma_wait3A_51 = tpu.memref_slice %arg5[%dma_wait3A_43, %dma_wait3A_44, %dma_wait3A_50] : memref<2x9x80xi32, #tpu.memory_space<vmem>> -> memref<1x1x80xi32, #tpu.memory_space<vmem>>
      %dma_wait3A_52 = tpu.memref_squeeze %dma_wait3A_51 : memref<1x1x80xi32, #tpu.memory_space<vmem>> -> memref<80xi32, #tpu.memory_space<vmem>>
      %dma_wait3A_53 = arith.constant 0 : i32
      %dma_wait3A_54 = arith.constant 0 : i32
      %dma_wait3A_55 = tpu.memref_slice %arg3[%dma_wait3A_53, %dma_wait3A_54] : memref<1071x128xf32, #tpu.memory_space<hbm>> -> memref<1071x128xf32, #tpu.memory_space<hbm>>
      tpu.wait_indirect_dma semaphore(%arg8 : memref<!tpu.dma_semaphore, #tpu.memory_space<semaphore_mem>>) src(%dma_wait3A_55 : memref<1071x128xf32, #tpu.memory_space<hbm>>) dst(%dma_wait3A_49 : memref<80x128xf32, #tpu.memory_space<vmem>>)
      %dma_wait3A_56 = arith.constant 1 : i32
      %dma_wait3A_57 = arith.constant 2 : i32
      %dma_wait3A_58 = arith.constant 1 : i32
      %dma_wait3A_59 = arith.constant 0 : i32
      %dma_wait3A_60 = arith.constant 0 : i32
      %dma_wait3A_61 = tpu.memref_slice %arg6[%dma_wait3A_58, %dma_wait3A_59, %dma_wait3A_60] : memref<2x80x128xf32, #tpu.memory_space<vmem>> -> memref<1x80x128xf32, #tpu.memory_space<vmem>>
      %dma_wait3A_62 = tpu.memref_squeeze %dma_wait3A_61 : memref<1x80x128xf32, #tpu.memory_space<vmem>> -> memref<80x128xf32, #tpu.memory_space<vmem>>
      %dma_wait3A_63 = arith.constant 0 : i32
      %dma_wait3A_64 = tpu.memref_slice %arg5[%dma_wait3A_56, %dma_wait3A_57, %dma_wait3A_63] : memref<2x9x80xi32, #tpu.memory_space<vmem>> -> memref<1x1x80xi32, #tpu.memory_space<vmem>>
      %dma_wait3A_65 = tpu.memref_squeeze %dma_wait3A_64 : memref<1x1x80xi32, #tpu.memory_space<vmem>> -> memref<80xi32, #tpu.memory_space<vmem>>
      %dma_wait3A_66 = arith.constant 0 : i32
      %dma_wait3A_67 = arith.constant 0 : i32
      %dma_wait3A_68 = tpu.memref_slice %arg3[%dma_wait3A_66, %dma_wait3A_67] : memref<1071x128xf32, #tpu.memory_space<hbm>> -> memref<1071x128xf32, #tpu.memory_space<hbm>>
      tpu.wait_indirect_dma semaphore(%arg8 : memref<!tpu.dma_semaphore, #tpu.memory_space<semaphore_mem>>) src(%dma_wait3A_68 : memref<1071x128xf32, #tpu.memory_space<hbm>>) dst(%dma_wait3A_62 : memref<80x128xf32, #tpu.memory_space<vmem>>)
      %dma_wait3A_69 = arith.constant 1 : i32
      %dma_wait3A_70 = arith.constant 3 : i32
      %dma_wait3A_71 = arith.constant 1 : i32
      %dma_wait3A_72 = arith.constant 0 : i32
      %dma_wait3A_73 = arith.constant 0 : i32
      %dma_wait3A_74 = tpu.memref_slice %arg6[%dma_wait3A_71, %dma_wait3A_72, %dma_wait3A_73] : memref<2x80x128xf32, #tpu.memory_space<vmem>> -> memref<1x80x128xf32, #tpu.memory_space<vmem>>
      %dma_wait3A_75 = tpu.memref_squeeze %dma_wait3A_74 : memref<1x80x128xf32, #tpu.memory_space<vmem>> -> memref<80x128xf32, #tpu.memory_space<vmem>>
      %dma_wait3A_76 = arith.constant 0 : i32
      %dma_wait3A_77 = tpu.memref_slice %arg5[%dma_wait3A_69, %dma_wait3A_70, %dma_wait3A_76] : memref<2x9x80xi32, #tpu.memory_space<vmem>> -> memref<1x1x80xi32, #tpu.memory_space<vmem>>
      %dma_wait3A_78 = tpu.memref_squeeze %dma_wait3A_77 : memref<1x1x80xi32, #tpu.memory_space<vmem>> -> memref<80xi32, #tpu.memory_space<vmem>>
      %dma_wait3A_79 = arith.constant 0 : i32
      %dma_wait3A_80 = arith.constant 0 : i32
      %dma_wait3A_81 = tpu.memref_slice %arg3[%dma_wait3A_79, %dma_wait3A_80] : memref<1071x128xf32, #tpu.memory_space<hbm>> -> memref<1071x128xf32, #tpu.memory_space<hbm>>
      tpu.wait_indirect_dma semaphore(%arg8 : memref<!tpu.dma_semaphore, #tpu.memory_space<semaphore_mem>>) src(%dma_wait3A_81 : memref<1071x128xf32, #tpu.memory_space<hbm>>) dst(%dma_wait3A_75 : memref<80x128xf32, #tpu.memory_space<vmem>>)
      %dma_wait3A_82 = arith.constant 1 : i32
      %dma_wait3A_83 = arith.constant 4 : i32
      %dma_wait3A_84 = arith.constant 1 : i32
      %dma_wait3A_85 = arith.constant 0 : i32
      %dma_wait3A_86 = arith.constant 0 : i32
      %dma_wait3A_87 = tpu.memref_slice %arg6[%dma_wait3A_84, %dma_wait3A_85, %dma_wait3A_86] : memref<2x80x128xf32, #tpu.memory_space<vmem>> -> memref<1x80x128xf32, #tpu.memory_space<vmem>>
      %dma_wait3A_88 = tpu.memref_squeeze %dma_wait3A_87 : memref<1x80x128xf32, #tpu.memory_space<vmem>> -> memref<80x128xf32, #tpu.memory_space<vmem>>
      %dma_wait3A_89 = arith.constant 0 : i32
      %dma_wait3A_90 = tpu.memref_slice %arg5[%dma_wait3A_82, %dma_wait3A_83, %dma_wait3A_89] : memref<2x9x80xi32, #tpu.memory_space<vmem>> -> memref<1x1x80xi32, #tpu.memory_space<vmem>>
      %dma_wait3A_91 = tpu.memref_squeeze %dma_wait3A_90 : memref<1x1x80xi32, #tpu.memory_space<vmem>> -> memref<80xi32, #tpu.memory_space<vmem>>
      %dma_wait3A_92 = arith.constant 0 : i32
      %dma_wait3A_93 = arith.constant 0 : i32
      %dma_wait3A_94 = tpu.memref_slice %arg3[%dma_wait3A_92, %dma_wait3A_93] : memref<1071x128xf32, #tpu.memory_space<hbm>> -> memref<1071x128xf32, #tpu.memory_space<hbm>>
      tpu.wait_indirect_dma semaphore(%arg8 : memref<!tpu.dma_semaphore, #tpu.memory_space<semaphore_mem>>) src(%dma_wait3A_94 : memref<1071x128xf32, #tpu.memory_space<hbm>>) dst(%dma_wait3A_88 : memref<80x128xf32, #tpu.memory_space<vmem>>)
      %dma_wait3A_95 = arith.constant 1 : i32
      %dma_wait3A_96 = arith.constant 5 : i32
      %dma_wait3A_97 = arith.constant 1 : i32
      %dma_wait3A_98 = arith.constant 0 : i32
      %dma_wait3A_99 = arith.constant 0 : i32
      %dma_wait3A_100 = tpu.memref_slice %arg6[%dma_wait3A_97, %dma_wait3A_98, %dma_wait3A_99] : memref<2x80x128xf32, #tpu.memory_space<vmem>> -> memref<1x80x128xf32, #tpu.memory_space<vmem>>
      %dma_wait3A_101 = tpu.memref_squeeze %dma_wait3A_100 : memref<1x80x128xf32, #tpu.memory_space<vmem>> -> memref<80x128xf32, #tpu.memory_space<vmem>>
      %dma_wait3A_102 = arith.constant 0 : i32
      %dma_wait3A_103 = tpu.memref_slice %arg5[%dma_wait3A_95, %dma_wait3A_96, %dma_wait3A_102] : memref<2x9x80xi32, #tpu.memory_space<vmem>> -> memref<1x1x80xi32, #tpu.memory_space<vmem>>
      %dma_wait3A_104 = tpu.memref_squeeze %dma_wait3A_103 : memref<1x1x80xi32, #tpu.memory_space<vmem>> -> memref<80xi32, #tpu.memory_space<vmem>>
      %dma_wait3A_105 = arith.constant 0 : i32
      %dma_wait3A_106 = arith.constant 0 : i32
      %dma_wait3A_107 = tpu.memref_slice %arg3[%dma_wait3A_105, %dma_wait3A_106] : memref<1071x128xf32, #tpu.memory_space<hbm>> -> memref<1071x128xf32, #tpu.memory_space<hbm>>
      tpu.wait_indirect_dma semaphore(%arg8 : memref<!tpu.dma_semaphore, #tpu.memory_space<semaphore_mem>>) src(%dma_wait3A_107 : memref<1071x128xf32, #tpu.memory_space<hbm>>) dst(%dma_wait3A_101 : memref<80x128xf32, #tpu.memory_space<vmem>>)
      %dma_wait3A_108 = arith.constant 1 : i32
      %dma_wait3A_109 = arith.constant 6 : i32
      %dma_wait3A_110 = arith.constant 1 : i32
      %dma_wait3A_111 = arith.constant 0 : i32
      %dma_wait3A_112 = arith.constant 0 : i32
      %dma_wait3A_113 = tpu.memref_slice %arg6[%dma_wait3A_110, %dma_wait3A_111, %dma_wait3A_112] : memref<2x80x128xf32, #tpu.memory_space<vmem>> -> memref<1x80x128xf32, #tpu.memory_space<vmem>>
      %dma_wait3A_114 = tpu.memref_squeeze %dma_wait3A_113 : memref<1x80x128xf32, #tpu.memory_space<vmem>> -> memref<80x128xf32, #tpu.memory_space<vmem>>
      %dma_wait3A_115 = arith.constant 0 : i32
      %dma_wait3A_116 = tpu.memref_slice %arg5[%dma_wait3A_108, %dma_wait3A_109, %dma_wait3A_115] : memref<2x9x80xi32, #tpu.memory_space<vmem>> -> memref<1x1x80xi32, #tpu.memory_space<vmem>>
      %dma_wait3A_117 = tpu.memref_squeeze %dma_wait3A_116 : memref<1x1x80xi32, #tpu.memory_space<vmem>> -> memref<80xi32, #tpu.memory_space<vmem>>
      %dma_wait3A_118 = arith.constant 0 : i32
      %dma_wait3A_119 = arith.constant 0 : i32
      %dma_wait3A_120 = tpu.memref_slice %arg3[%dma_wait3A_118, %dma_wait3A_119] : memref<1071x128xf32, #tpu.memory_space<hbm>> -> memref<1071x128xf32, #tpu.memory_space<hbm>>
      tpu.wait_indirect_dma semaphore(%arg8 : memref<!tpu.dma_semaphore, #tpu.memory_space<semaphore_mem>>) src(%dma_wait3A_120 : memref<1071x128xf32, #tpu.memory_space<hbm>>) dst(%dma_wait3A_114 : memref<80x128xf32, #tpu.memory_space<vmem>>)
      %dma_wait3A_121 = arith.constant 1 : i32
      %dma_wait3A_122 = arith.constant 7 : i32
      %dma_wait3A_123 = arith.constant 1 : i32
      %dma_wait3A_124 = arith.constant 0 : i32
      %dma_wait3A_125 = arith.constant 0 : i32
      %dma_wait3A_126 = tpu.memref_slice %arg6[%dma_wait3A_123, %dma_wait3A_124, %dma_wait3A_125] : memref<2x80x128xf32, #tpu.memory_space<vmem>> -> memref<1x80x128xf32, #tpu.memory_space<vmem>>
      %dma_wait3A_127 = tpu.memref_squeeze %dma_wait3A_126 : memref<1x80x128xf32, #tpu.memory_space<vmem>> -> memref<80x128xf32, #tpu.memory_space<vmem>>
      %dma_wait3A_128 = arith.constant 0 : i32
      %dma_wait3A_129 = tpu.memref_slice %arg5[%dma_wait3A_121, %dma_wait3A_122, %dma_wait3A_128] : memref<2x9x80xi32, #tpu.memory_space<vmem>> -> memref<1x1x80xi32, #tpu.memory_space<vmem>>
      %dma_wait3A_130 = tpu.memref_squeeze %dma_wait3A_129 : memref<1x1x80xi32, #tpu.memory_space<vmem>> -> memref<80xi32, #tpu.memory_space<vmem>>
      %dma_wait3A_131 = arith.constant 0 : i32
      %dma_wait3A_132 = arith.constant 0 : i32
      %dma_wait3A_133 = tpu.memref_slice %arg3[%dma_wait3A_131, %dma_wait3A_132] : memref<1071x128xf32, #tpu.memory_space<hbm>> -> memref<1071x128xf32, #tpu.memory_space<hbm>>
      tpu.wait_indirect_dma semaphore(%arg8 : memref<!tpu.dma_semaphore, #tpu.memory_space<semaphore_mem>>) src(%dma_wait3A_133 : memref<1071x128xf32, #tpu.memory_space<hbm>>) dst(%dma_wait3A_127 : memref<80x128xf32, #tpu.memory_space<vmem>>)
      %dma_wait3A_134 = arith.constant 1 : i32
      %dma_wait3A_135 = arith.constant 8 : i32
      %dma_wait3A_136 = arith.constant 1 : i32
      %dma_wait3A_137 = arith.constant 0 : i32
      %dma_wait3A_138 = arith.constant 0 : i32
      %dma_wait3A_139 = tpu.memref_slice %arg6[%dma_wait3A_136, %dma_wait3A_137, %dma_wait3A_138] : memref<2x80x128xf32, #tpu.memory_space<vmem>> -> memref<1x80x128xf32, #tpu.memory_space<vmem>>
      %dma_wait3A_140 = tpu.memref_squeeze %dma_wait3A_139 : memref<1x80x128xf32, #tpu.memory_space<vmem>> -> memref<80x128xf32, #tpu.memory_space<vmem>>
      %dma_wait3A_141 = arith.constant 0 : i32
      %dma_wait3A_142 = tpu.memref_slice %arg5[%dma_wait3A_134, %dma_wait3A_135, %dma_wait3A_141] : memref<2x9x80xi32, #tpu.memory_space<vmem>> -> memref<1x1x80xi32, #tpu.memory_space<vmem>>
      %dma_wait3A_143 = tpu.memref_squeeze %dma_wait3A_142 : memref<1x1x80xi32, #tpu.memory_space<vmem>> -> memref<80xi32, #tpu.memory_space<vmem>>
      %dma_wait3A_144 = arith.constant 0 : i32
      %dma_wait3A_145 = arith.constant 0 : i32
      %dma_wait3A_146 = tpu.memref_slice %arg3[%dma_wait3A_144, %dma_wait3A_145] : memref<1071x128xf32, #tpu.memory_space<hbm>> -> memref<1071x128xf32, #tpu.memory_space<hbm>>
      tpu.wait_indirect_dma semaphore(%arg8 : memref<!tpu.dma_semaphore, #tpu.memory_space<semaphore_mem>>) src(%dma_wait3A_146 : memref<1071x128xf32, #tpu.memory_space<hbm>>) dst(%dma_wait3A_140 : memref<80x128xf32, #tpu.memory_space<vmem>>)
      %mul3A_147 = arith.constant 80 : i32
      %mul3A_148 = arith.muli %add3A_7, %mul3A_147 : i32
      %dma_start3A = arith.constant 1 : i32
      %dma_start3A_149 = arith.constant 0 : i32
      %dma_start3A_150 = arith.constant 0 : i32
      %dma_start3A_151 = tpu.memref_slice %arg6[%dma_start3A, %dma_start3A_149, %dma_start3A_150] : memref<2x80x128xf32, #tpu.memory_space<vmem>> -> memref<1x80x128xf32, #tpu.memory_space<vmem>>
      %dma_start3A_152 = tpu.memref_squeeze %dma_start3A_151 : memref<1x80x128xf32, #tpu.memory_space<vmem>> -> memref<80x128xf32, #tpu.memory_space<vmem>>
      %dma_start3A_153 = arith.constant 0 : i32
      %dma_start3A_154 = tpu.memref_slice %arg4[%mul3A_148, %dma_start3A_153] : memref<100000x128xf32, #tpu.memory_space<hbm>> -> memref<80x128xf32, #tpu.memory_space<hbm>>
      %dma_start3A_155 = arith.constant 0 : i32
      %dma_start3A_156 = tpu.memref_slice %arg4[%mul3A_148, %dma_start3A_155] : memref<100000x128xf32, #tpu.memory_space<hbm>> -> memref<80x128xf32, #tpu.memory_space<hbm>>
      %dma_start3A_157 = arith.constant 0 : i32
      %dma_start3A_158 = arith.constant 0 : i32
      %dma_start3A_159 = tpu.memref_slice %arg6[%dma_start3A, %dma_start3A_157, %dma_start3A_158] : memref<2x80x128xf32, #tpu.memory_space<vmem>> -> memref<1x80x128xf32, #tpu.memory_space<vmem>>
      %dma_start3A_160 = tpu.memref_squeeze %dma_start3A_159 : memref<1x80x128xf32, #tpu.memory_space<vmem>> -> memref<80x128xf32, #tpu.memory_space<vmem>>
      tpu.enqueue_dma source(%dma_start3A_160 : memref<80x128xf32, #tpu.memory_space<vmem>>) target(%dma_start3A_156 : memref<80x128xf32, #tpu.memory_space<hbm>>) target_semaphore(%arg10 : memref<!tpu.dma_semaphore, #tpu.memory_space<semaphore_mem>>)
    } else {
    }
    %add3A_11 = arith.constant 1216 : i32
    %add3A_12 = arith.addi %add3A_11, %add3A : i32
    %ge3A_13 = arith.constant 0 : i32
    %ge3A_14 = arith.cmpi sge, %add3A_12, %ge3A_13 : i32
    %lt3A_15 = arith.constant 1250 : i32
    %lt3A_16 = arith.cmpi slt, %add3A_12, %lt3A_15 : i32
    %and3A_17 = arith.andi %ge3A_14, %lt3A_16 : i1
    %convert_element_type3A_18 = arith.extui %and3A_17 : i1 to i32
    %cond3A_19 = arith.constant 0 : i32
    %cond3A_20 = arith.cmpi ne, %convert_element_type3A_18, %cond3A_19 : i32
    scf.if %cond3A_20 {
      %mul3A_31 = arith.constant 80 : i32
      %mul3A_32 = arith.muli %add3A_12, %mul3A_31 : i32
      %dma_wait3A = arith.constant 0 : i32
      %dma_wait3A_33 = arith.constant 0 : i32
      %dma_wait3A_34 = arith.constant 0 : i32
      %dma_wait3A_35 = tpu.memref_slice %arg6[%dma_wait3A, %dma_wait3A_33, %dma_wait3A_34] : memref<2x80x128xf32, #tpu.memory_space<vmem>> -> memref<1x80x128xf32, #tpu.memory_space<vmem>>
      %dma_wait3A_36 = tpu.memref_squeeze %dma_wait3A_35 : memref<1x80x128xf32, #tpu.memory_space<vmem>> -> memref<80x128xf32, #tpu.memory_space<vmem>>
      %dma_wait3A_37 = arith.constant 0 : i32
      %dma_wait3A_38 = tpu.memref_slice %arg4[%mul3A_32, %dma_wait3A_37] : memref<100000x128xf32, #tpu.memory_space<hbm>> -> memref<80x128xf32, #tpu.memory_space<hbm>>
      %dma_wait3A_39 = arith.constant 0 : i32
      %dma_wait3A_40 = tpu.memref_slice %arg4[%mul3A_32, %dma_wait3A_39] : memref<100000x128xf32, #tpu.memory_space<hbm>> -> memref<80x128xf32, #tpu.memory_space<hbm>>
      %dma_wait3A_41 = arith.constant 0 : i32
      %dma_wait3A_42 = arith.constant 0 : i32
      %dma_wait3A_43 = tpu.memref_slice %arg6[%dma_wait3A, %dma_wait3A_41, %dma_wait3A_42] : memref<2x80x128xf32, #tpu.memory_space<vmem>> -> memref<1x80x128xf32, #tpu.memory_space<vmem>>
      %dma_wait3A_44 = tpu.memref_squeeze %dma_wait3A_43 : memref<1x80x128xf32, #tpu.memory_space<vmem>> -> memref<80x128xf32, #tpu.memory_space<vmem>>
      tpu.wait_dma2 semaphore(%arg9 : memref<!tpu.dma_semaphore, #tpu.memory_space<semaphore_mem>>) src(%dma_wait3A_44 : memref<80x128xf32, #tpu.memory_space<vmem>>) dst(%dma_wait3A_40 : memref<80x128xf32, #tpu.memory_space<hbm>>)
    } else {
    }
    %add3A_21 = arith.constant 1248 : i32
    %add3A_22 = arith.addi %add3A_21, %add3A : i32
    %ge3A_23 = arith.constant 0 : i32
    %ge3A_24 = arith.cmpi sge, %add3A_22, %ge3A_23 : i32
    %lt3A_25 = arith.constant 1250 : i32
    %lt3A_26 = arith.cmpi slt, %add3A_22, %lt3A_25 : i32
    %and3A_27 = arith.andi %ge3A_24, %lt3A_26 : i1
    %convert_element_type3A_28 = arith.extui %and3A_27 : i1 to i32
    %cond3A_29 = arith.constant 0 : i32
    %cond3A_30 = arith.cmpi ne, %convert_element_type3A_28, %cond3A_29 : i32
    scf.if %cond3A_30 {
      %mul3A_31 = arith.constant 80 : i32
      %mul3A_32 = arith.muli %add3A_22, %mul3A_31 : i32
      %dma_wait3A = arith.constant 1 : i32
      %dma_wait3A_33 = arith.constant 0 : i32
      %dma_wait3A_34 = arith.constant 0 : i32
      %dma_wait3A_35 = tpu.memref_slice %arg6[%dma_wait3A, %dma_wait3A_33, %dma_wait3A_34] : memref<2x80x128xf32, #tpu.memory_space<vmem>> -> memref<1x80x128xf32, #tpu.memory_space<vmem>>
      %dma_wait3A_36 = tpu.memref_squeeze %dma_wait3A_35 : memref<1x80x128xf32, #tpu.memory_space<vmem>> -> memref<80x128xf32, #tpu.memory_space<vmem>>
      %dma_wait3A_37 = arith.constant 0 : i32
      %dma_wait3A_38 = tpu.memref_slice %arg4[%mul3A_32, %dma_wait3A_37] : memref<100000x128xf32, #tpu.memory_space<hbm>> -> memref<80x128xf32, #tpu.memory_space<hbm>>
      %dma_wait3A_39 = arith.constant 0 : i32
      %dma_wait3A_40 = tpu.memref_slice %arg4[%mul3A_32, %dma_wait3A_39] : memref<100000x128xf32, #tpu.memory_space<hbm>> -> memref<80x128xf32, #tpu.memory_space<hbm>>
      %dma_wait3A_41 = arith.constant 0 : i32
      %dma_wait3A_42 = arith.constant 0 : i32
      %dma_wait3A_43 = tpu.memref_slice %arg6[%dma_wait3A, %dma_wait3A_41, %dma_wait3A_42] : memref<2x80x128xf32, #tpu.memory_space<vmem>> -> memref<1x80x128xf32, #tpu.memory_space<vmem>>
      %dma_wait3A_44 = tpu.memref_squeeze %dma_wait3A_43 : memref<1x80x128xf32, #tpu.memory_space<vmem>> -> memref<80x128xf32, #tpu.memory_space<vmem>>
      tpu.wait_dma2 semaphore(%arg10 : memref<!tpu.dma_semaphore, #tpu.memory_space<semaphore_mem>>) src(%dma_wait3A_44 : memref<80x128xf32, #tpu.memory_space<vmem>>) dst(%dma_wait3A_40 : memref<80x128xf32, #tpu.memory_space<hbm>>)
    } else {
    }
    return
  }
}

</mosaic_0001>

<sc_bundles>
// kernel: kernel.3.cloned.1.call-start
scs
__scs_entry_jumppad:
0x0: {  	(pc) =	sbr.rel $0x88, $3  }
0x1: {  	(tag) =	ssettag $0x0;
	lr =	simm.s32 $0x1  }
0x2: {  	[smem:$0x3F9F] =	sst lr;
	_ =	strace $0xD0000000  }
0x3: {  	_ = 	snop  }
0x4: {  	_ = 	snop  }
0x5: {  	_ = 	snop  }
0x6: {  	_ = 	snop  }
0x7: {  	_ = 	snop  }
__scs_overlays_trampoline_lowered:
0x8: {  	[smem:$0x3FAE] =	sst s0  }
0x9: {  	[smem:$0x3FAF] =	sst s1  }
0xa: {  	[smem:$0x3FB0] =	sst s2  }
0xb: {  	[smem:$0x3FB1] =	sst s3  }
0xc: {  	[smem:$0x3FB2] =	sst s4  }
0xd: {  	[smem:$0x3FB3] =	sst s5  }
0xe: {  	[smem:$0x3FB4] =	sst s6  }
0xf: {  	[smem:$0x3FB5] =	sst s7  }
0x10: {  	[smem:$0x3FB6] =	sst s8  }
0x11: {  	[smem:$0x3FB7] =	sst s9;
	s0 =	simm.s32 @!p0 $0x0  }
0x12: {  	s1 =	sld [smem:$0x3F9D];
	s0 =	simm.s32 @p0 $0x1  }
0x13: {  	[smem:$0x3FB8] =	sst s0;
	s0 =	simm.s32 @!p1 $0x0  }
0x14: {  	s2 =	sld [smem:$0x3F9C];
	s0 =	simm.s32 @p1 $0x1  }
0x15: {  	[smem:$0x3FB9] =	sst s0;
	s0 =	simm.s32 @!p2 $0x0  }
0x16: {  	s3 =	sld [smem:$0x3FDB];
	s0 =	simm.s32 @p2 $0x1  }
0x17: {  	s4 =	simm.s32 $0x1BF5;
	[smem:$0x3FBB] =	sst s0  }
0x18: {  	s0 =	sld [smem:$0x3F9E];
	_ =	swait.ge [sflag:s4], $0x0  }
0x19: {  	s7 =	sld [smem:$0x3F9F]  }
0x1a: {  	s8 =	sadd.s32 $0xFFFFE003, lr  }
0x1b: {  	s9 =	sadd.s32 $0xFFFFFEF7, lr;
	s5 =	simm.s32 $0xFFFFFFFF;
	p2 =	slt.u32 s8, $0xFFFFF086  }
0x1c: {  	p1 =	slt.u32 s9, $0xF7A;
	s5 =	simm.s32 @!p2 $0x0  }
0x1d: {  	s5 =	simm.s32 @p1 $0x1;
	p0 =	seq.s32 s7, s2  }
0x1e: {  	s7 =	smul.u32 @!p0 $0xF7A, s2;
	p2 =	seq.s32 @!p0 s5, $0x0  }
0x1f: {  	s9 =	smul.u32 $0xF7A, s1;
	s8 =	simm.s32 @!p0 $0x1BF5;
	p2 =	por !p2, p0  }
0x20: {  	[sflag:s8] =	ssyncset.s32 @!p0 $0xFFFFF086;
	s6 =	sadd.s32 @!p0 s3, s7;
	s7 =	simm.s32 @!p0 $0x108  }
0x21: {  	s3 =	sadd.s32 s3, s9;
	s6 =	sadd.s32 @!p0 $0x88, s6;
	s7 =	simm.s32 @p2 $0x1082  }
0x22: {  	[simem:s7], [sflag:s8] =	dma.local @!p0 [hbm:s6], $0xF7A  }
0x23: {  	s9 =	sor.u32 $0xD0000000, s2;
	s6 =	simm.s32 $0x108;
	_ =	swait.ge @!p0 [sflag:s8], $0x0  }
0x24: {  	s3 =	sadd.s32 $0x88, s3;
	s6 =	simm.s32 @!p1 $0x1082;
	[sflag:s4] =	ssyncset.s32 $0xFFFFF086  }
0x25: {  	[simem:s6], [sflag:s4] =	dma.local [hbm:s3], $0xF7A  }
0x26: {  	[smem:$0x3F9F] =	sst s1;
	(tag) =	ssettag s2;
	_ =	strace s9  }
0x27: {  	s1 =	sld [smem:$0x3FAF]  }
0x28: {  	s2 =	sld [smem:$0x3FB0]  }
0x29: {  	s4 =	sld [smem:$0x3FB2]  }
0x2a: {  	p0 =	seq.s32 s5, $0x0;
	s5 =	sld [smem:$0x3FB3]  }
0x2b: {  	s6 =	sld [smem:$0x3FB4]  }
0x2c: {  	s7 =	sld [smem:$0x3FB5]  }
0x2d: {  	s3 =	simm.s32 $0x108;
	s8 =	sld [smem:$0x3FB6]  }
0x2e: {  	s3 =	simm.s32 @!p0 $0x1082;
	s9 =	sld [smem:$0x3FB7]  }
0x2f: {  	lr =	sadd.s32 s0, s3;
	s0 =	sld [smem:$0x3FAE]  }
0x30: {  	s3 =	sld [smem:$0x3FB1]  }
0x31: {  	[smem:$0x3FBA] =	sst s10  }
0x32: {  	s10 =	sld [smem:$0x3FB8];
	_ =	sdelay $0x3  }
0x33: {  	p0 =	seq.s32 s10, $0x1;
	s10 =	sld [smem:$0x3FBA];
	_ =	sdelay $0x3  }
0x34: {  	[smem:$0x3FBA] =	sst s10  }
0x35: {  	s10 =	sld [smem:$0x3FB9];
	_ =	sdelay $0x3  }
0x36: {  	p1 =	seq.s32 s10, $0x1;
	s10 =	sld [smem:$0x3FBA];
	_ =	sdelay $0x3  }
0x37: {  	[smem:$0x3FBA] =	sst s10  }
0x38: {  	s10 =	sld [smem:$0x3FBB]  }
0x39: {  	_ = 	snop;
	(pc) =	sbr.ind lr, $3  }
0x3a: {  	_ = 	snop  }
0x3b: {  	_ = 	snop  }
0x3c: {  	p2 =	seq.s32 s10, $0x1;
	s10 =	sld [smem:$0x3FBA]  }
0x3d: {  	_ =	shalt  }
0x3e: {  	_ =	shalt  }
0x3f: {  	_ =	shalt  }
0x40: {  	_ =	shalt  }
0x41: {  	_ =	shalt  }
0x42: {  	_ =	shalt  }
0x43: {  	_ =	shalt  }
0x44: {  	_ =	shalt  }
0x45: {  	_ =	shalt  }
0x46: {  	_ =	shalt  }
0x47: {  	_ =	shalt  }
0x48: {  	_ =	shalt  }
0x49: {  	_ =	shalt  }
0x4a: {  	_ =	shalt  }
0x4b: {  	_ =	shalt  }
0x4c: {  	_ =	shalt  }
0x4d: {  	_ =	shalt  }
0x4e: {  	_ =	shalt  }
0x4f: {  	_ =	shalt  }
0x50: {  	_ =	shalt  }
0x51: {  	_ =	shalt  }
0x52: {  	_ =	shalt  }
0x53: {  	_ =	shalt  }
0x54: {  	_ =	shalt  }
0x55: {  	_ =	shalt  }
0x56: {  	_ =	shalt  }
0x57: {  	_ =	shalt  }
0x58: {  	_ =	shalt  }
0x59: {  	_ =	shalt  }
0x5a: {  	_ =	shalt  }
0x5b: {  	_ =	shalt  }
0x5c: {  	_ =	shalt  }
0x5d: {  	_ =	shalt  }
0x5e: {  	_ =	shalt  }
0x5f: {  	_ =	shalt  }
0x60: {  	_ =	shalt  }
0x61: {  	_ =	shalt  }
0x62: {  	_ =	shalt  }
0x63: {  	_ =	shalt  }
0x64: {  	_ =	shalt  }
0x65: {  	_ =	shalt  }
0x66: {  	_ =	shalt  }
0x67: {  	_ =	shalt  }
0x68: {  	_ =	shalt  }
0x69: {  	_ =	shalt  }
0x6a: {  	_ =	shalt  }
0x6b: {  	_ =	shalt  }
0x6c: {  	_ =	shalt  }
0x6d: {  	_ =	shalt  }
0x6e: {  	_ =	shalt  }
0x6f: {  	_ =	shalt  }
0x70: {  	_ =	shalt  }
0x71: {  	_ =	shalt  }
0x72: {  	_ =	shalt  }
0x73: {  	_ =	shalt  }
0x74: {  	_ =	shalt  }
0x75: {  	_ =	shalt  }
0x76: {  	_ =	shalt  }
0x77: {  	_ =	shalt  }
0x78: {  	_ =	shalt  }
0x79: {  	_ =	shalt  }
0x7a: {  	_ =	shalt  }
0x7b: {  	_ =	shalt  }
0x7c: {  	_ =	shalt  }
0x7d: {  	_ =	shalt  }
0x7e: {  	_ =	shalt  }
0x7f: {  	_ =	shalt  }
0x80: {  	_ =	shalt  }
0x81: {  	_ =	shalt  }
0x82: {  	_ =	shalt  }
0x83: {  	_ =	shalt  }
0x84: {  	_ =	shalt  }
0x85: {  	_ =	shalt  }
0x86: {  	_ =	shalt  }
0x87: {  	_ =	shalt  }
.Lfunc_end0:
.L_simem_size_0:
called_computation_lowered:
.L_overlay_start_0:
0x88: {  	s2 =	sld [smem:$0x3FD9]  }
0x89: {  	s3 =	sld [smem:$0x3FFE];
	_ =	sdelay $0x1  }
0x8a: {  	s1 =	srdreg.scid  }
0x8b: {  	s0 =	sand.u32 $0x1, s1  }
0x8c: {  	s17 =	sshll.u32 s0, $0xA;
	s2 =	sadd.s32 s3, s2  }
0x8d: {  	s2 =	sadd.s32 s2, s17  }
0x8e: {  	[smem:$0x3FC6] =	sst s2  }
0x8f: {  	_ = 	snop  }
0x90: {  	s2 =	sld [smem:$0x3FD0];
	(tm) =	ssettm $0x1  }
0x91: {  	s18 =	sld [smem:$0x3FFB];
	_ =	sdelay $0x3  }
0x92: {  	_ =	strace s18  }
0x93: {  	s3 =	sld [smem:$0x3FFC];
	_ =	sdelay $0x3  }
0x94: {  	_ =	strace s3  }
0x95: {  	s3 =	sld [smem:$0x3FFD];
	_ =	sdelay $0x3  }
0x96: {  	_ =	strace s3  }
0x97: {  	_ =	strace $0x8FFFFFFF  }
0x98: {  	s19 =	sld [smem:$0x3FDB];
	_ =	sdelay $0x1  }
0x99: {  	s4 =	simm.s32 $_scs_section_size  }
0x9a: {  	s5 =	simm.s32 $_size__tile_overlayer_lowered;
	s6 =	simm.s32 $_tile_overlayer_lowered  }
0x9b: {  	s22 =	simm.s32 $0x1BFF;
	s21 =	sshll.u32 s6, $0x1;
	s3 =	sadd.s32 s4, s19  }
0x9c: {  	s7 =	simm.s32 $0x0;
	s20 =	sshll.u32 s5, $0x1;
	s5 =	sadd.s32 s21, s3  }
0x9d: {  	[timem:s7], [sflag:s22] =	dma.local [hbm:s5], s20  }
0x9e: {  	_ =	swait.ge [sflag:s22], s20  }
0x9f: {  	s4 =	ssub.s32 $0x0, s20;
	[sflag:s22] =	ssyncset.done $0x0  }
0xa0: {  	[sflag:s22] =	ssyncadd.s32 s4;
	_ =	sdelay $0x1  }
0xa1: {  	s23 =	simm.s32 $0x1B8B  }
0xa2: {  	_ =	swait.ge [sflag:s23], $0x1  }
0xa3: {  	[sflag:s23] =	ssyncset.done $0x0  }
0xa4: {  	s25 =	simm.s32 $0x1B8E;
	s24 =	sld [smem:$0x3FFE];
	[sflag:s23] =	ssyncadd.s32 $0xFFFFFFFF  }
0xa5: {  	s26 =	simm.s32 $execute0_lowered;
	[smem:$0x3FD2] =	sst s25  }
0xa6: {  	s5 =	sshll.u32 s26, $0x1;
	_ =	strace $0x80000046;
	[dreg:$0x1] =	wrdreg $0xFFFFFFFF  }
0xa7: {  	s28 =	simm.s32 $_size_execute0_lowered;
	s3 =	sadd.s32 s3, s5;
	[dreg:$0x0] =	wrdreg $0x0  }
0xa8: {  	s5 =	sshll.u32 s28, $0x1;
	[dreg:$0x2] =	wrdreg s3  }
0xa9: {  	[dreg:$0x3] =	wrdreg s5  }
0xaa: {  	[dreg:$0x4] =	wrdreg $0xC0  }
0xab: {  	_ =	task [dreg:s7], $0x5FFFF  }
0xac: {  	[dreg:$0x1] =	wrdreg $0xFFFFFFFF  }
0xad: {  	[dreg:$0x0] =	wrdreg $0x60  }
0xae: {  	[dreg:$0x2] =	wrdreg s24  }
0xaf: {  	[dreg:$0x3] =	wrdreg s2  }
0xb0: {  	[dreg:$0x4] =	wrdreg $0x9  }
0xb1: {  	_ =	task.clear_ibuf [dreg:s7], $0x5FFFF;
	_ =	strace $0x90000046  }
0xb2: {  	s29 =	simm.s32 $0x9;
	_ =	strace $0x80000048  }
0xb3: {  	_ =	swait.ge [sflag:s29], $0x1  }
0xb4: {  	[sflag:s29] =	ssyncadd.s32 $0xFFFFFFFF  }
0xb5: {  	_ =	strace $0x90000048  }
0xb6: {  	_ =	sfence  }
0xb7: {  	s30 =	sld [smem:$0x0];
	_ =	sdelay $0x2  }
0xb8: {  	s31 =	sshll.u32 s1, $0xD;
	s1 =	sshrl.u32 s1, $0x2  }
0xb9: {  	s3 =	sand.u32 $0x4000, s31;
	s1 =	sadd.s32 s1, s30  }
0xba: {  	s0 =	sor.u32 s3, s0;
	s1 =	sshll.u32 s1, $0x11  }
0xbb: {  	s0 =	sor.u32 s1, s0  }
0xbc: {  	s0 =	sadd.s32 $0x8F2B, s0  }
0xbd: {  	[sflag:s0] =	ssyncadd.remote.s32 $0x1  }
0xbe: {  	_ =	sfence.sel $0xFFFF  }
0xbf: {  	[dreg:$0x0] =	wrdreg $0xFFFFFFFF;
	(pc) =	sbr.abs _section_cstart, $3  }
0xc0: {  	[dreg:$0x1] =	wrdreg $0xFFFFFFFF  }
0xc1: {  	_ =	task.clear_ibuf [dreg:s7], $0x2FFFF;
	_ =	strace $0x9FFFFFFF  }
0xc2: {  	(tm) =	ssettm $0x7FFFFFFF  }
0xc3: {  	_ =	shalt  }
tec
execute0_lowered:
.L_overlay_start_1:
0x0: {  	(tag) =	ssettag $0x1  }
0x1: {  	s0 =	rddreg [dreg:$0x0]  }
0x2: {  	s1 =	rddreg [dreg:$0x1];
	s2 =	simm.s32 $0x0  }
0x3: {  	s3 =	srdreg.scid;
	s8 =	stileid.u32;
	s10 =	simm.s32 $0x5  }
0x4: {  	s11 =	simm.s32 $0x50;
	s12 =	simm.s32 $0x1000;
	s13 =	simm.s32 $0x80  }
0x5: {  	s14 =	simm.s32 $0x100;
	s15 =	simm.s32 $0x180;
	s16 =	simm.s32 $0x200  }
0x6: {  	s17 =	simm.s32 $0x280;
	s18 =	simm.s32 $0x300;
	s19 =	simm.s32 $0x380  }
0x7: {  	s20 =	simm.s32 $0x400;
	s21 =	simm.s32 $0x800;
	s22 =	simm.s32 $0x3800  }
0x8: {  	s28 =	simm.s32 $0xA80;
	s29 =	simm.s32 $0xB00;
	s30 =	simm.s32 $0xB80  }
0x9: {  	s31 =	simm.s32 $0xC00;
	s23 =	simm.s32 $0x0;
	[smem:$0x7FF] =	sst s2  }
0xa: {  	s5 =	sand.u32 $0x1, s3;
	s3 =	sadd.s32 $0x4800, s0;
	s4 =	sadd.s32 $0x400, s0  }
0xb: {  	s26 =	sshll.u32 s8, $0x1;
	p0 =	sne.s32 s8, $0x0;
	s9 =	smul.u32 $0x500, s5  }
.Ltmp0:
0xc: {  	_ =	strace $0x80000047;
	s6 =	ssub.s32 $0x2, s5;
	(pc) =	sbr.rel .LBB2_1-.Ltmp0, $4  }
0xd: {  	s5 =	sor.u32 s5, s26;
	s7 =	sshrl.u32 s6, $0x1;
	s9 =	sadd.s32 s9, s1  }
0xe: {  	s25 =	ssub.s32 s6, s7;
	s6 =	sor.u32 $0xFFFFFFC0, s26;
	s9 =	sadd.s32 $0x186000, s9  }
0xf: {  	s7 =	sor.u32 $0xFFFFFFE0, s5;
	s0 =	smax.u32 s25, $0x1;
	[dreg:$0x3] =	wrdreg s9  }
0x10: {  	v0 =	vimm.f32 $0.0e+00;
	s26 =	simm.s32 $0xA00;
	[dreg:$0x4] =	wrdreg s0;
	s0 =	simm.s32 $0x1  }
.LBB2_9:
0x11: {  	s8 =	simm.s32 @!p0 $0x2  }
0x12: {  	_ =	swait.ge @!p0 [sflag:s8], $0x2800  }
0x13: {  	[sflag:s8] =	ssyncset.done @!p0 $0x0  }
0x14: {  	[sflag:s8] =	ssyncadd.s32 @!p0 $0xFFFFD800  }
0x15: {  	_ =	swait.ge @!p0 [sflag:s8], $0x2800  }
0x16: {  	[sflag:s8] =	ssyncset.done @!p0 $0x0  }
0x17: {  	[sflag:s8] =	ssyncadd.s32 @!p0 $0xFFFFD800  }
0x18: {  	_ =	swait.ge @!p0 [sflag:s8], $0x2800  }
0x19: {  	[sflag:s8] =	ssyncset.done @!p0 $0x0  }
0x1a: {  	[sflag:s8] =	ssyncadd.s32 @!p0 $0xFFFFD800  }
0x1b: {  	_ =	swait.ge @!p0 [sflag:s8], $0x2800  }
0x1c: {  	[sflag:s8] =	ssyncset.done @!p0 $0x0  }
0x1d: {  	[sflag:s8] =	ssyncadd.s32 @!p0 $0xFFFFD800  }
0x1e: {  	_ =	swait.ge @!p0 [sflag:s8], $0x2800  }
0x1f: {  	[sflag:s8] =	ssyncset.done @!p0 $0x0  }
0x20: {  	[sflag:s8] =	ssyncadd.s32 @!p0 $0xFFFFD800  }
0x21: {  	_ =	swait.ge @!p0 [sflag:s8], $0x2800  }
0x22: {  	[sflag:s8] =	ssyncset.done @!p0 $0x0  }
0x23: {  	[sflag:s8] =	ssyncadd.s32 @!p0 $0xFFFFD800  }
0x24: {  	_ =	swait.ge @!p0 [sflag:s8], $0x2800  }
0x25: {  	[sflag:s8] =	ssyncset.done @!p0 $0x0  }
0x26: {  	[sflag:s8] =	ssyncadd.s32 @!p0 $0xFFFFD800  }
0x27: {  	_ =	swait.ge @!p0 [sflag:s8], $0x2800  }
0x28: {  	[sflag:s8] =	ssyncset.done @!p0 $0x0  }
0x29: {  	[sflag:s8] =	ssyncadd.s32 @!p0 $0xFFFFD800  }
0x2a: {  	_ =	swait.ge @!p0 [sflag:s8], $0x2800  }
0x2b: {  	s9 =	simm.s32 @!p0 $0x3800;
	[sflag:s8] =	ssyncset.done @!p0 $0x0  }
0x2c: {  	s23 =	rddreg [dreg:$0x3];
	[sflag:s8] =	ssyncadd.s32 @!p0 $0xFFFFD800;
	s8 =	simm.s32 @!p0 $0x0  }
0x2d: {  	[hbm4b:s23+s8] =	stream.linear.scatter @!p0 [tilespmem:s9], [sflag:$0x4], $0x2800, $0x38;
	[tilespmem:$0x6000] =	vst v63  }
0x2e: {  	s8 =	simm.s32 @!p0 $0x3  }
0x2f: {  	_ =	swait.ge @!p0 [sflag:s8], $0x2800  }
0x30: {  	s9 =	simm.s32 @!p0 $0x4;
	[sflag:s8] =	ssyncset.done @!p0 $0x0  }
0x31: {  	s9 =	simm.s32 @p0 $0x3;
	[sflag:s8] =	ssyncadd.s32 @!p0 $0xFFFFD800  }
0x32: {  	_ =	swait.ge [sflag:s9], $0x2800  }
0x33: {  	s24 =	rddreg [dreg:$0x5]  }
0x34: {  	s25 =	rddreg [dreg:$0x4];
	s23 =	sadd.s32 $0x1, s24  }
0x35: {  	p1 =	sne.s32 s23, s25  }
.Ltmp1:
0x36: {  	_ = 	snop;
	(pc) =	sbr.rel @!p1 .LBB2_10-.Ltmp1, $3  }
0x37: {  	_ =	sdelay $0x1  }
0x38: {  	[sflag:s9] =	ssyncset.done $0x0  }
0x39: {  	[sflag:s9] =	ssyncadd.s32 $0xFFFFD800  }
.LBB2_1:
.Ltmp2:
0x3a: {  	(pc) =	sbr.rel .LBB2_2-.Ltmp2, $2  }
0x3b: {  	_ =	sdelay $0x2  }
0x3c: {  	[dreg:$0x5] =	wrdreg s23;
	s9 =	simm.s32 $0x0  }
.LBB2_8:
0x3d: {  	_ =	swait.ge [sflag:s0], $0x2800  }
0x3e: {  	[sflag:s0] =	ssyncset.done $0x0  }
0x3f: {  	[sflag:s0] =	ssyncadd.s32 $0xFFFFD800  }
0x40: {  	_ =	swait.ge [sflag:s0], $0x2800  }
0x41: {  	[sflag:s0] =	ssyncset.done $0x0  }
0x42: {  	[sflag:s0] =	ssyncadd.s32 $0xFFFFD800  }
0x43: {  	_ =	swait.ge [sflag:s0], $0x2800  }
0x44: {  	[sflag:s0] =	ssyncset.done $0x0  }
0x45: {  	[sflag:s0] =	ssyncadd.s32 $0xFFFFD800  }
0x46: {  	_ =	swait.ge [sflag:s0], $0x2800  }
0x47: {  	[sflag:s0] =	ssyncset.done $0x0  }
0x48: {  	[sflag:s0] =	ssyncadd.s32 $0xFFFFD800  }
0x49: {  	_ =	swait.ge [sflag:s0], $0x2800  }
0x4a: {  	[sflag:s0] =	ssyncset.done $0x0  }
0x4b: {  	[sflag:s0] =	ssyncadd.s32 $0xFFFFD800  }
0x4c: {  	_ =	swait.ge [sflag:s0], $0x2800  }
0x4d: {  	[sflag:s0] =	ssyncset.done $0x0  }
0x4e: {  	[sflag:s0] =	ssyncadd.s32 $0xFFFFD800  }
0x4f: {  	_ =	swait.ge [sflag:s0], $0x2800  }
0x50: {  	[sflag:s0] =	ssyncset.done $0x0  }
0x51: {  	[sflag:s0] =	ssyncadd.s32 $0xFFFFD800  }
0x52: {  	s9 =	sadd.s32 $0x1, s9;
	_ =	swait.ge [sflag:s0], $0x2800  }
0x53: {  	p1 =	sne.s32 s9, $0x14;
	[sflag:s0] =	ssyncset.done $0x0  }
.Ltmp3:
0x54: {  	[sflag:s0] =	ssyncadd.s32 $0xFFFFD800;
	(pc) =	sbr.rel @!p1 .LBB2_9-.Ltmp3, $4  }
0x55: {  	s8 =	smul.u32 $0x500, s8;
	_ =	swait.ge [sflag:s0], $0x2800  }
0x56: {  	[sflag:s0] =	ssyncset.done $0x0  }
0x57: {  	s8 =	sadd.s32 s1, s8;
	[sflag:s0] =	ssyncadd.s32 $0xFFFFD800  }
0x58: {  	[hbm4b:s8+s2] =	stream.linear.scatter [tilespmem:s12], [sflag:$0x3], $0x2800, $0x38;
	[tilespmem:$0x6000] =	vst v63  }
.LBB2_2:
0x59: {  	s23 =	sshll.u32 s9, $0x6  }
0x5a: {  	s8 =	sadd.s32 s6, s23  }
0x5b: {  	p1 =	sgt.u32 s8, $0x4E1  }
0x5c: {  	s8 =	simm.s32 @!p1 $0x3  }
0x5d: {  	_ =	swait.ge @!p1 [sflag:s8], $0x2800  }
0x5e: {  	s24 =	simm.s32 $0x0;
	[sflag:s8] =	ssyncset.done @!p1 $0x0  }
0x5f: {  	s25 =	simm.s32 $0x200;
	[sflag:s8] =	ssyncadd.s32 @!p1 $0xFFFFD800;
	s8 =	sor.u32 s5, s23  }
.LBB2_3:
0x60: {  	p1 =	sne.s32 s25, $0x9E00;
	[tilespmem:s24+$0x1070] =	vst v0  }
0x61: {  	[tilespmem:s24+$0x1000] =	vst v0  }
0x62: {  	[tilespmem:s24+$0x1010] =	vst v0  }
.Ltmp4:
0x63: {  	[tilespmem:s24+$0x1020] =	vst v0;
	(pc) =	sbr.rel @p1 .LBB2_3-.Ltmp4, $4  }
0x64: {  	[tilespmem:s24+$0x1030] =	vst v0  }
0x65: {  	[tilespmem:s24+$0x1040] =	vst v0  }
0x66: {  	[tilespmem:s24+$0x1050] =	vst v0  }
0x67: {  	[tilespmem:s24+$0x1060] =	vst v0;
	s24 =	sshra.s32 s25, $0x2;
	s25 =	sadd.s32 $0x200, s25  }
0x68: {  	[tilespmem:s24+$0x1070] =	vst v0  }
0x69: {  	[tilespmem:s24+$0x1000] =	vst v0  }
0x6a: {  	[tilespmem:s24+$0x1010] =	vst v0  }
0x6b: {  	[tilespmem:s24+$0x1020] =	vst v0  }
0x6c: {  	[tilespmem:s24+$0x1030] =	vst v0  }
0x6d: {  	[tilespmem:s24+$0x1040] =	vst v0  }
0x6e: {  	[tilespmem:s24+$0x1050] =	vst v0;
	s25 =	sshll.u32 s8, $0x8  }
0x6f: {  	[tilespmem:s24+$0x1060] =	vst v0;
	s25 =	sadd.s32 s3, s25  }
0x70: {  	[tilespmem:s2], [sflag:$0x5] =	stream.linear.gather [hbm4b:s25+s2], $0x480, $0x38;
	[tilespmem:$0x6000] =	vst v63  }
0x71: {  	_ =	swait.ge [sflag:s10], $0x480  }
0x72: {  	[sflag:s10] =	ssyncset.done $0x0  }
0x73: {  	[sflag:s10] =	ssyncadd.s32 $0xFFFFFB80  }
0x74: {  	[tilespmem:s12], [sflag:$0x1] =	stream.indirect.gather.add.f32 [hbm:s4], $0x80, s2, s11, $0xb8;
	[tilespmem:$0x6000] =	vst v63  }
0x75: {  	_ = 	snop  }
0x76: {  	[tilespmem:s12], [sflag:$0x1] =	stream.indirect.gather.add.f32 [hbm:s4], $0x80, s13, s11, $0xb8;
	[tilespmem:$0x6000] =	vst v63  }
0x77: {  	_ = 	snop  }
0x78: {  	[tilespmem:s12], [sflag:$0x1] =	stream.indirect.gather.add.f32 [hbm:s4], $0x80, s14, s11, $0xb8;
	[tilespmem:$0x6000] =	vst v63  }
0x79: {  	_ = 	snop  }
0x7a: {  	[tilespmem:s12], [sflag:$0x1] =	stream.indirect.gather.add.f32 [hbm:s4], $0x80, s15, s11, $0xb8;
	[tilespmem:$0x6000] =	vst v63  }
0x7b: {  	_ = 	snop  }
0x7c: {  	[tilespmem:s12], [sflag:$0x1] =	stream.indirect.gather.add.f32 [hbm:s4], $0x80, s16, s11, $0xb8;
	[tilespmem:$0x6000] =	vst v63  }
0x7d: {  	_ = 	snop  }
0x7e: {  	[tilespmem:s12], [sflag:$0x1] =	stream.indirect.gather.add.f32 [hbm:s4], $0x80, s17, s11, $0xb8;
	[tilespmem:$0x6000] =	vst v63  }
0x7f: {  	s23 =	sadd.s32 s7, s23  }
0x80: {  	[tilespmem:s12], [sflag:$0x1] =	stream.indirect.gather.add.f32 [hbm:s4], $0x80, s18, s11, $0xb8;
	[tilespmem:$0x6000] =	vst v63  }
0x81: {  	p1 =	sgt.u32 s23, $0x4E1  }
0x82: {  	[tilespmem:s12], [sflag:$0x1] =	stream.indirect.gather.add.f32 [hbm:s4], $0x80, s19, s11, $0xb8;
	[tilespmem:$0x6000] =	vst v63  }
0x83: {  	s24 =	simm.s32 @!p1 $0x2  }
0x84: {  	[tilespmem:s12], [sflag:$0x1] =	stream.indirect.gather.add.f32 [hbm:s4], $0x80, s20, s11, $0xb8;
	[tilespmem:$0x6000] =	vst v63  }
0x85: {  	_ =	swait.ge @!p1 [sflag:s24], $0x2800  }
0x86: {  	[sflag:s24] =	ssyncset.done @!p1 $0x0  }
0x87: {  	[sflag:s24] =	ssyncadd.s32 @!p1 $0xFFFFD800  }
0x88: {  	_ =	swait.ge @!p1 [sflag:s24], $0x2800  }
0x89: {  	[sflag:s24] =	ssyncset.done @!p1 $0x0  }
0x8a: {  	[sflag:s24] =	ssyncadd.s32 @!p1 $0xFFFFD800  }
0x8b: {  	_ =	swait.ge @!p1 [sflag:s24], $0x2800  }
0x8c: {  	[sflag:s24] =	ssyncset.done @!p1 $0x0  }
0x8d: {  	[sflag:s24] =	ssyncadd.s32 @!p1 $0xFFFFD800  }
0x8e: {  	_ =	swait.ge @!p1 [sflag:s24], $0x2800  }
0x8f: {  	[sflag:s24] =	ssyncset.done @!p1 $0x0  }
0x90: {  	[sflag:s24] =	ssyncadd.s32 @!p1 $0xFFFFD800  }
0x91: {  	_ =	swait.ge @!p1 [sflag:s24], $0x2800  }
0x92: {  	[sflag:s24] =	ssyncset.done @!p1 $0x0  }
0x93: {  	[sflag:s24] =	ssyncadd.s32 @!p1 $0xFFFFD800  }
0x94: {  	_ =	swait.ge @!p1 [sflag:s24], $0x2800  }
0x95: {  	[sflag:s24] =	ssyncset.done @!p1 $0x0  }
0x96: {  	[sflag:s24] =	ssyncadd.s32 @!p1 $0xFFFFD800  }
0x97: {  	_ =	swait.ge @!p1 [sflag:s24], $0x2800  }
0x98: {  	[sflag:s24] =	ssyncset.done @!p1 $0x0  }
0x99: {  	[sflag:s24] =	ssyncadd.s32 @!p1 $0xFFFFD800  }
0x9a: {  	_ =	swait.ge @!p1 [sflag:s24], $0x2800  }
0x9b: {  	[sflag:s24] =	ssyncset.done @!p1 $0x0  }
0x9c: {  	[sflag:s24] =	ssyncadd.s32 @!p1 $0xFFFFD800  }
0x9d: {  	s23 =	smul.u32 @!p1 $0x500, s23;
	_ =	swait.ge @!p1 [sflag:s24], $0x2800  }
0x9e: {  	s25 =	simm.s32 @!p1 $0x3800;
	[sflag:s24] =	ssyncset.done @!p1 $0x0  }
0x9f: {  	s23 =	sadd.s32 @!p1 s1, s23;
	[sflag:s24] =	ssyncadd.s32 @!p1 $0xFFFFD800;
	s24 =	simm.s32 @!p1 $0x0  }
0xa0: {  	[hbm4b:s23+s24] =	stream.linear.scatter @!p1 [tilespmem:s25], [sflag:$0x4], $0x2800, $0x38;
	[tilespmem:$0x6000] =	vst v63  }
0xa1: {  	s23 =	sor.u32 $0x20, s8  }
0xa2: {  	p2 =	sgt.u32 s23, $0x4E1  }
.Ltmp5:
0xa3: {  	_ = 	snop;
	(pc) =	sbr.rel @p2 .LBB2_8-.Ltmp5, $4  }
0xa4: {  	s24 =	simm.s32 @!p1 $0x4  }
0xa5: {  	_ =	swait.ge @!p1 [sflag:s24], $0x2800  }
0xa6: {  	[sflag:s24] =	ssyncset.done @!p1 $0x0  }
0xa7: {  	s25 =	simm.s32 $0x0;
	[sflag:s24] =	ssyncadd.s32 @!p1 $0xFFFFD800  }
0xa8: {  	s24 =	sshra.s32 s25, $0x2;
	s25 =	sadd.s32 $0x200, s25  }
.LBB2_6:
0xa9: {  	p1 =	sne.s32 s25, $0x9E00;
	[tilespmem:s24+$0x3870] =	vst v0  }
0xaa: {  	[tilespmem:s24+$0x3800] =	vst v0  }
0xab: {  	[tilespmem:s24+$0x3810] =	vst v0  }
.Ltmp6:
0xac: {  	[tilespmem:s24+$0x3820] =	vst v0;
	(pc) =	sbr.rel @p1 .LBB2_6-.Ltmp6, $4  }
0xad: {  	[tilespmem:s24+$0x3830] =	vst v0  }
0xae: {  	[tilespmem:s24+$0x3840] =	vst v0  }
0xaf: {  	[tilespmem:s24+$0x3850] =	vst v0  }
0xb0: {  	[tilespmem:s24+$0x3860] =	vst v0;
	s24 =	sshra.s32 s25, $0x2;
	s25 =	sadd.s32 $0x200, s25  }
0xb1: {  	[tilespmem:s24+$0x3870] =	vst v0  }
0xb2: {  	[tilespmem:s24+$0x3800] =	vst v0  }
0xb3: {  	[tilespmem:s24+$0x3810] =	vst v0  }
0xb4: {  	[tilespmem:s24+$0x3820] =	vst v0  }
0xb5: {  	[tilespmem:s24+$0x3830] =	vst v0  }
0xb6: {  	[tilespmem:s24+$0x3840] =	vst v0  }
0xb7: {  	[tilespmem:s24+$0x3850] =	vst v0;
	s23 =	sshll.u32 s23, $0x8  }
0xb8: {  	[tilespmem:s24+$0x3860] =	vst v0;
	s23 =	sadd.s32 s3, s23  }
0xb9: {  	[tilespmem:s21], [sflag:$0x5] =	stream.linear.gather [hbm4b:s23+s2], $0x480, $0x38;
	[tilespmem:$0x6000] =	vst v63  }
0xba: {  	_ =	swait.ge [sflag:s10], $0x480  }
0xbb: {  	[sflag:s10] =	ssyncset.done $0x0  }
0xbc: {  	[sflag:s10] =	ssyncadd.s32 $0xFFFFFB80  }
0xbd: {  	[tilespmem:s22], [sflag:$0x2] =	stream.indirect.gather.add.f32 [hbm:s4], $0x80, s21, s11, $0xb8;
	[tilespmem:$0x6000] =	vst v63  }
0xbe: {  	s25 =	simm.s32 $0x880  }
0xbf: {  	[tilespmem:s22], [sflag:$0x2] =	stream.indirect.gather.add.f32 [hbm:s4], $0x80, s25, s11, $0xb8;
	[tilespmem:$0x6000] =	vst v63  }
0xc0: {  	s24 =	simm.s32 $0x900  }
0xc1: {  	[tilespmem:s22], [sflag:$0x2] =	stream.indirect.gather.add.f32 [hbm:s4], $0x80, s24, s11, $0xb8;
	[tilespmem:$0x6000] =	vst v63  }
0xc2: {  	s25 =	simm.s32 $0x980  }
0xc3: {  	[tilespmem:s22], [sflag:$0x2] =	stream.indirect.gather.add.f32 [hbm:s4], $0x80, s25, s11, $0xb8;
	[tilespmem:$0x6000] =	vst v63  }
0xc4: {  	_ = 	snop  }
0xc5: {  	[tilespmem:s22], [sflag:$0x2] =	stream.indirect.gather.add.f32 [hbm:s4], $0x80, s26, s11, $0xb8;
	[tilespmem:$0x6000] =	vst v63  }
0xc6: {  	_ = 	snop  }
0xc7: {  	[tilespmem:s22], [sflag:$0x2] =	stream.indirect.gather.add.f32 [hbm:s4], $0x80, s28, s11, $0xb8;
	[tilespmem:$0x6000] =	vst v63  }
0xc8: {  	_ = 	snop  }
0xc9: {  	[tilespmem:s22], [sflag:$0x2] =	stream.indirect.gather.add.f32 [hbm:s4], $0x80, s29, s11, $0xb8;
	[tilespmem:$0x6000] =	vst v63  }
.Ltmp7:
0xca: {  	_ = 	snop;
	(pc) =	sbr.rel .LBB2_8-.Ltmp7, $4  }
0xcb: {  	_ = 	snop  }
0xcc: {  	[tilespmem:s22], [sflag:$0x2] =	stream.indirect.gather.add.f32 [hbm:s4], $0x80, s30, s11, $0xb8;
	[tilespmem:$0x6000] =	vst v63  }
0xcd: {  	_ = 	snop  }
0xce: {  	[tilespmem:s22], [sflag:$0x2] =	stream.indirect.gather.add.f32 [hbm:s4], $0x80, s31, s11, $0xb8;
	[tilespmem:$0x6000] =	vst v63  }
.LBB2_10:
0xcf: {  	_ =	sfence.sel $0x180000  }
0xd0: {  	[bflag:$0x0] =	sbarrier.arrive $0xFFFF  }
0xd1: {  	_ =	strace $0x90000047  }
0xd2: {  	[bflag:$0x2] =	sbarrier.arrive $0xFFFF  }
0xd3: {  	s0 =	rddreg [dreg:$0x2]  }
0xd4: {  	s0 =	sadd.s32 @!p0 $0x100000, s0  }
0xd5: {  	[sflag:s0] =	ssyncadd.tile.s32 @!p0 $0x1;
	_ =	shalt  }
.Lfunc_end2:
_tile_overlayer_lowered:
.L_overlay_start_2:
0xd6: {  	(tag) =	ssettag $0x2  }
0xd7: {  	s0 =	rddreg [dreg:$0x0];
	s2 =	stileid.u32  }
0xd8: {  	s1 =	rddreg [dreg:$0x1];
	p0 =	sne.s32 s2, $0x0  }
0xd9: {  	s3 =	rddreg [dreg:$0x2];
	[bflag:$0x3] =	sbarrier.arrive $0xFFFF;
	s2 =	simm.s32 @!p0 $0x1C05  }
0xda: {  	[timem:s3], [sflag:s2] =	dma.local @!p0 [hbm:s0], s1  }
0xdb: {  	s0 =	simm.s32 @!p0 $0x5  }
0xdc: {  	_ =	swait.ge @!p0 [sflag:s0], s1  }
0xdd: {  	s1 =	ssub.s32 @!p0 $0x0, s1;
	[sflag:s0] =	ssyncset.done @!p0 $0x0  }
0xde: {  	[sflag:s0] =	ssyncadd.s32 @!p0 s1  }
0xdf: {  	[bflag:$0x3] =	sbarrier.arrive $0xFFFF  }
0xe0: {  	_ =	shalt  }

</sc_bundles>
